<compile_context>
chip_gen: v7x
topology: tpu7x:2x2x1
jax: 0.10.2.dev20260603
libtpu: 0.0.44.dev20260713+nightly
codegen_flags: <defaults>
</compile_context>

<pallas_src>
import numpy as np

import jax
import jax.numpy as jnp
from jax.experimental import pallas as pl

_N = 4096
_D = 256
_ALPHA = 3.0
_TOPK = 16
_BLOCK = 256
_SEG = 128
_NSEG = _N // _SEG
_INT_MIN = jnp.iinfo(jnp.int32).min

_UT128 = np.triu(np.ones((_SEG, _SEG), np.float32))
_SUT32 = np.triu(np.ones((_NSEG, _NSEG), np.float32), 1)
_EMAT = (np.arange(_N)[:, None] // _SEG ==
         np.arange(_NSEG)[None, :]).astype(np.float32)


def _embed_kernel(x1, w1, b1, x2, w2, b2, e1_out, e2_out):
    z1 = jax.lax.dot_general(x1[...], w1[...], (((1,), (1,)), ((), ())),
                             preferred_element_type=jnp.float32)
    e1_out[...] = jnp.tanh(_ALPHA * (z1 + b1[...]))
    z2 = jax.lax.dot_general(x2[...], w2[...], (((1,), (1,)), ((), ())),
                             preferred_element_type=jnp.float32)
    e2_out[...] = jnp.tanh(_ALPHA * (z2 + b2[...]))


def _adj_kernel(e1b, e2b, e1, e2, ut128, sut32, emat, out):
    a = jax.lax.dot_general(e1b[...], e2[...], (((1,), (1,)), ((), ())),
                            preferred_element_type=jnp.float32)
    b = jax.lax.dot_general(e2b[...], e1[...], (((1,), (1,)), ((), ())),
                            preferred_element_type=jnp.float32)
    adj = jnp.maximum(jnp.tanh(_ALPHA * (a - b)), 0.0)

    bits = jax.lax.bitcast_convert_type(adj, jnp.int32)
    sb = bits & ~0xFFF

    vmax = jnp.max(sb, axis=1, keepdims=True)
    condf = (sb == vmax).astype(jnp.float32)

    pieces = []
    for s in range(_NSEG):
        sl = condf[:, s * _SEG:(s + 1) * _SEG]
        pieces.append(jax.lax.dot_general(
            sl, ut128[...], (((1,), (0,)), ((), ())),
            preferred_element_type=jnp.float32))
    wcs = jnp.concatenate(pieces, axis=1)
    cnts = jnp.concatenate([p[:, _SEG - 1:_SEG] for p in pieces], axis=1)
    excl = jax.lax.dot_general(cnts, sut32[...], (((1,), (0,)), ((), ())),
                               preferred_element_type=jnp.float32)
    base = jax.lax.dot_general(excl, emat[...], (((1,), (1,)), ((), ())),
                               preferred_element_type=jnp.float32)
    total = excl[:, _NSEG - 1:_NSEG] + cnts[:, _NSEG - 1:_NSEG]
    ok = jnp.all(total >= float(_TOPK))

    mask_fast = (condf > 0.0) & (wcs + base <= float(_TOPK))
    out[...] = jnp.where(mask_fast, adj, 0.0)

    @pl.when(jnp.logical_not(ok))
    def _slow():
        col = jax.lax.broadcasted_iota(jnp.int32, adj.shape, 1)
        keys = sb | ((_N - 1) - col)
        k = keys
        m = None
        for _ in range(_TOPK):
            m = jnp.max(k, axis=1, keepdims=True)
            k = jnp.where(k == m, _INT_MIN, k)
        out[...] = jnp.where(keys >= m, adj, 0.0)


def kernel(idx, emb1_w, emb2_w, theta1_w, theta1_b, theta2_w, theta2_b):
    x1 = jnp.take(emb1_w, idx, axis=0)
    x2 = jnp.take(emb2_w, idx, axis=0)
    e1, e2 = pl.pallas_call(
        _embed_kernel,
        out_shape=[jax.ShapeDtypeStruct((_N, _D), jnp.float32)] * 2,
    )(x1, theta1_w, theta1_b.reshape(1, _D), x2, theta2_w, theta2_b.reshape(1, _D))

    grid = (_N // _BLOCK,)
    out = pl.pallas_call(
        _adj_kernel,
        grid=grid,
        in_specs=[
            pl.BlockSpec((_BLOCK, _D), lambda i: (i, 0)),
            pl.BlockSpec((_BLOCK, _D), lambda i: (i, 0)),
            pl.BlockSpec((_N, _D), lambda i: (0, 0)),
            pl.BlockSpec((_N, _D), lambda i: (0, 0)),
            pl.BlockSpec((_SEG, _SEG), lambda i: (0, 0)),
            pl.BlockSpec((_NSEG, _NSEG), lambda i: (0, 0)),
            pl.BlockSpec((_N, _NSEG), lambda i: (0, 0)),
        ],
        out_specs=pl.BlockSpec((_BLOCK, _N), lambda i: (i, 0)),
        out_shape=jax.ShapeDtypeStruct((_N, _N), jnp.float32),
    )(e1, e2, e1, e2, jnp.asarray(_UT128), jnp.asarray(_SUT32),
      jnp.asarray(_EMAT))
    return out

# --- scband reference (transcript-rebuilt; emitter-appended) ---
"""Pipeline reference for scband-adj-constructor-75153337745450 (READ-ONLY COPY).

The authoritative reference and input builder live on the scoring server;
editing this copy changes nothing except your own understanding.
"""

import jax, jax.numpy as jnp
import numpy as np

N = 4096
D = 256
ALPHA = 3.0
TOPK = 16


def setup_inputs(seed: int = 0) -> dict:
    key = jax.random.key(seed)
    ks = jax.random.split(key, 7)
    idx = jnp.arange(N, dtype=jnp.int32)
    # nn.Embedding default init: N(0, 1)
    emb1_w = jax.random.normal(ks[0], (N, D), dtype=jnp.float32)
    emb2_w = jax.random.normal(ks[1], (N, D), dtype=jnp.float32)
    # nn.Linear default init: U(-1/sqrt(D), 1/sqrt(D))
    bound = 1.0 / np.sqrt(D)
    theta1_w = jax.random.uniform(ks[2], (D, D), dtype=jnp.float32, minval=-bound, maxval=bound)
    theta1_b = jax.random.uniform(ks[3], (D,), dtype=jnp.float32, minval=-bound, maxval=bound)
    theta2_w = jax.random.uniform(ks[4], (D, D), dtype=jnp.float32, minval=-bound, maxval=bound)
    theta2_b = jax.random.uniform(ks[5], (D,), dtype=jnp.float32, minval=-bound, maxval=bound)
    return {
        "idx": idx,
        "emb1_w": emb1_w,
        "emb2_w": emb2_w,
        "theta1_w": theta1_w,
        "theta1_b": theta1_b,
        "theta2_w": theta2_w,
        "theta2_b": theta2_b,
    }


def reference(idx, emb1_w, emb2_w, theta1_w, theta1_b, theta2_w, theta2_b):
    # Embedding lookups (gather)
    e1 = jnp.take(emb1_w, idx, axis=0)
    e2 = jnp.take(emb2_w, idx, axis=0)
    # Linear + tanh(alpha * .)
    e1 = jnp.tanh(ALPHA * (e1 @ theta1_w.T + theta1_b))
    e2 = jnp.tanh(ALPHA * (e2 @ theta2_w.T + theta2_b))
    # Antisymmetric similarity -> relu(tanh(alpha * .))
    adj_mat = jax.nn.relu(jnp.tanh(ALPHA * (e1 @ e2.T - e2 @ e1.T)))
    # Eval-mode top-k masking (no noise): keep top_k per row, mask value 1
    s1, t1 = jax.lax.top_k(adj_mat, TOPK)
    n = adj_mat.shape[0]
    mask = jnp.zeros_like(adj_mat).at[jnp.arange(n)[:, None], t1].set(1.0)
    return adj_mat * mask

if __name__ == "__main__":
    import jax
    _d = setup_inputs()
    print(jax.jit(kernel)(*tuple(_d.values())))

</pallas_src>

<mosaic_0001>
module attributes {stable_mosaic.version = 14 : i64} {
  func.func @_embed_kernel(%arg0: memref<4096x256xf32, #tpu.memory_space<vmem>>, %arg1: memref<256x256xf32, #tpu.memory_space<vmem>>, %arg2: memref<1x256xf32, #tpu.memory_space<vmem>>, %arg3: memref<4096x256xf32, #tpu.memory_space<vmem>>, %arg4: memref<256x256xf32, #tpu.memory_space<vmem>>, %arg5: memref<1x256xf32, #tpu.memory_space<vmem>>, %arg6: memref<4096x256xf32, #tpu.memory_space<vmem>>, %arg7: memref<4096x256xf32, #tpu.memory_space<vmem>>) attributes {dimension_semantics = [], scalar_prefetch = 0 : i64, scratch_operands = 0 : i64, tpu.core_type = #tpu.core_type<tc>} {
    %get3A = arith.constant 0 : index
    %get3A_0 = arith.constant 0 : index
    %get3A_1 = vector.load %arg0[%get3A, %get3A_0] : memref<4096x256xf32, #tpu.memory_space<vmem>>, vector<4096x256xf32>
    %get3A_2 = arith.constant 0 : index
    %get3A_3 = arith.constant 0 : index
    %get3A_4 = vector.load %arg1[%get3A_2, %get3A_3] : memref<256x256xf32, #tpu.memory_space<vmem>>, vector<256x256xf32>
    %dot_general3A = arith.constant dense<0.000000e+00> : vector<4096x256xf32>
    %dot_general3A_5 = tpu.matmul %get3A_1, %get3A_4, %dot_general3A {dimension_numbers = #tpu.dot_dimension_numbers<[1], [1], [0], [0], [0, 0, 1, 0], [], []>, transpose_lhs_hint = false} : vector<4096x256xf32>, vector<256x256xf32>, vector<4096x256xf32> -> vector<4096x256xf32>
    %get3A_6 = arith.constant 0 : index
    %get3A_7 = arith.constant 0 : index
    %get3A_8 = vector.load %arg2[%get3A_6, %get3A_7] : memref<1x256xf32, #tpu.memory_space<vmem>>, vector<1x256xf32>
    %add3A = vector.broadcast %get3A_8 : vector<1x256xf32> to vector<4096x256xf32>
    %add3A_9 = arith.addf %dot_general3A_5, %add3A : vector<4096x256xf32>
    %mul3A = arith.constant 3.000000e+00 : f32
    %mul3A_10 = vector.broadcast %mul3A : f32 to vector<4096x256xf32>
    %mul3A_11 = arith.mulf %mul3A_10, %add3A_9 : vector<4096x256xf32>
    %tanh3A = math.tanh %mul3A_11 : vector<4096x256xf32>
    %swap3A = arith.constant 0 : index
    %swap3A_12 = arith.constant 0 : index
    %swap3A_13 = vector.load %arg6[%swap3A, %swap3A_12] : memref<4096x256xf32, #tpu.memory_space<vmem>>, vector<4096x256xf32>
    tpu.vector_store %arg6[%swap3A, %swap3A_12], %tanh3A {strides = array<i32>} : memref<4096x256xf32, #tpu.memory_space<vmem>>, vector<4096x256xf32>,
    %get3A_14 = arith.constant 0 : index
    %get3A_15 = arith.constant 0 : index
    %get3A_16 = vector.load %arg3[%get3A_14, %get3A_15] : memref<4096x256xf32, #tpu.memory_space<vmem>>, vector<4096x256xf32>
    %get3A_17 = arith.constant 0 : index
    %get3A_18 = arith.constant 0 : index
    %get3A_19 = vector.load %arg4[%get3A_17, %get3A_18] : memref<256x256xf32, #tpu.memory_space<vmem>>, vector<256x256xf32>
    %dot_general3A_20 = arith.constant dense<0.000000e+00> : vector<4096x256xf32>
    %dot_general3A_21 = tpu.matmul %get3A_16, %get3A_19, %dot_general3A_20 {dimension_numbers = #tpu.dot_dimension_numbers<[1], [1], [0], [0], [0, 0, 1, 0], [], []>, transpose_lhs_hint = false} : vector<4096x256xf32>, vector<256x256xf32>, vector<4096x256xf32> -> vector<4096x256xf32>
    %get3A_22 = arith.constant 0 : index
    %get3A_23 = arith.constant 0 : index
    %get3A_24 = vector.load %arg5[%get3A_22, %get3A_23] : memref<1x256xf32, #tpu.memory_space<vmem>>, vector<1x256xf32>
    %add3A_25 = vector.broadcast %get3A_24 : vector<1x256xf32> to vector<4096x256xf32>
    %add3A_26 = arith.addf %dot_general3A_21, %add3A_25 : vector<4096x256xf32>
    %mul3A_27 = arith.constant 3.000000e+00 : f32
    %mul3A_28 = vector.broadcast %mul3A_27 : f32 to vector<4096x256xf32>
    %mul3A_29 = arith.mulf %mul3A_28, %add3A_26 : vector<4096x256xf32>
    %tanh3A_30 = math.tanh %mul3A_29 : vector<4096x256xf32>
    %swap3A_31 = arith.constant 0 : index
    %swap3A_32 = arith.constant 0 : index
    %swap3A_33 = vector.load %arg7[%swap3A_31, %swap3A_32] : memref<4096x256xf32, #tpu.memory_space<vmem>>, vector<4096x256xf32>
    tpu.vector_store %arg7[%swap3A_31, %swap3A_32], %tanh3A_30 {strides = array<i32>} : memref<4096x256xf32, #tpu.memory_space<vmem>>, vector<4096x256xf32>,
    return
  }
}

module attributes {stable_mosaic.version = 14 : i64} {
  func.func @_adj_kernel(%arg0: i32, %arg1: memref<256x256xf32, #tpu.memory_space<vmem>>, %arg2: memref<256x256xf32, #tpu.memory_space<vmem>>, %arg3: memref<4096x256xf32, #tpu.memory_space<vmem>>, %arg4: memref<4096x256xf32, #tpu.memory_space<vmem>>, %arg5: memref<128x128xf32, #tpu.memory_space<vmem>>, %arg6: memref<32x32xf32, #tpu.memory_space<vmem>>, %arg7: memref<4096x32xf32, #tpu.memory_space<vmem>>, %arg8: memref<256x4096xf32, #tpu.memory_space<vmem>>) attributes {dimension_semantics = [#tpu.dimension_semantics<arbitrary>], iteration_bounds = array<i64: 16>, scalar_prefetch = 0 : i64, scratch_operands = 0 : i64, tpu.core_type = #tpu.core_type<tc>, window_params = [{transform_indices = @transform_0, window_bounds = array<i64: 256, 256>}, {transform_indices = @transform_1, window_bounds = array<i64: 256, 256>}, {pipeline_mode = #tpu.pipeline_mode<synchronous>, transform_indices = @transform_2, window_bounds = array<i64: 4096, 256>}, {pipeline_mode = #tpu.pipeline_mode<synchronous>, transform_indices = @transform_3, window_bounds = array<i64: 4096, 256>}, {pipeline_mode = #tpu.pipeline_mode<synchronous>, transform_indices = @transform_4, window_bounds = array<i64: 128, 128>}, {pipeline_mode = #tpu.pipeline_mode<synchronous>, transform_indices = @transform_5, window_bounds = array<i64: 32, 32>}, {pipeline_mode = #tpu.pipeline_mode<synchronous>, transform_indices = @transform_6, window_bounds = array<i64: 4096, 32>}, {transform_indices = @transform_7, window_bounds = array<i64: 256, 4096>}]} {
    %get3A = arith.constant 0 : index
    %get3A_0 = arith.constant 0 : index
    %get3A_1 = vector.load %arg1[%get3A, %get3A_0] : memref<256x256xf32, #tpu.memory_space<vmem>>, vector<256x256xf32>
    %get3A_2 = arith.constant 0 : index
    %get3A_3 = arith.constant 0 : index
    %get3A_4 = vector.load %arg4[%get3A_2, %get3A_3] : memref<4096x256xf32, #tpu.memory_space<vmem>>, vector<4096x256xf32>
    %dot_general3A = arith.constant dense<0.000000e+00> : vector<256x4096xf32>
    %dot_general3A_5 = tpu.matmul %get3A_1, %get3A_4, %dot_general3A {dimension_numbers = #tpu.dot_dimension_numbers<[1], [1], [0], [0], [0, 0, 1, 0], [], []>, transpose_lhs_hint = false} : vector<256x256xf32>, vector<4096x256xf32>, vector<256x4096xf32> -> vector<256x4096xf32>
    %get3A_6 = arith.constant 0 : index
    %get3A_7 = arith.constant 0 : index
    %get3A_8 = vector.load %arg2[%get3A_6, %get3A_7] : memref<256x256xf32, #tpu.memory_space<vmem>>, vector<256x256xf32>
    %get3A_9 = arith.constant 0 : index
    %get3A_10 = arith.constant 0 : index
    %get3A_11 = vector.load %arg3[%get3A_9, %get3A_10] : memref<4096x256xf32, #tpu.memory_space<vmem>>, vector<4096x256xf32>
    %dot_general3A_12 = arith.constant dense<0.000000e+00> : vector<256x4096xf32>
    %dot_general3A_13 = tpu.matmul %get3A_8, %get3A_11, %dot_general3A_12 {dimension_numbers = #tpu.dot_dimension_numbers<[1], [1], [0], [0], [0, 0, 1, 0], [], []>, transpose_lhs_hint = false} : vector<256x256xf32>, vector<4096x256xf32>, vector<256x4096xf32> -> vector<256x4096xf32>
    %sub3A = arith.subf %dot_general3A_5, %dot_general3A_13 : vector<256x4096xf32>
    %mul3A = arith.constant 3.000000e+00 : f32
    %mul3A_14 = vector.broadcast %mul3A : f32 to vector<256x4096xf32>
    %mul3A_15 = arith.mulf %mul3A_14, %sub3A : vector<256x4096xf32>
    %tanh3A = math.tanh %mul3A_15 : vector<256x4096xf32>
    %max3A = arith.constant 0.000000e+00 : f32
    %max3A_16 = vector.broadcast %max3A : f32 to vector<256x4096xf32>
    %max3A_17 = arith.maximumf %tanh3A, %max3A_16 : vector<256x4096xf32>
    %bitcast_convert_type3A = tpu.bitcast %max3A_17 : vector<256x4096xf32> -> vector<256x4096xi32>
    %and3A = arith.constant -4096 : i32
    %and3A_18 = vector.broadcast %and3A : i32 to vector<256x4096xi32>
    %and3A_19 = arith.andi %bitcast_convert_type3A, %and3A_18 : vector<256x4096xi32>
    %reduce_max3A = arith.constant dense<-2147483648> : vector<256xi32>
    %reduce_max3A_20 = vector.multi_reduction <maxsi>, %and3A_19, %reduce_max3A [1] : vector<256x4096xi32> to vector<256xi32>
    %broadcast_in_dim3A = vector.shape_cast %reduce_max3A_20 : vector<256xi32> to vector<256x1xi32>
    %eq3A = vector.broadcast %broadcast_in_dim3A : vector<256x1xi32> to vector<256x4096xi32>
    %eq3A_21 = arith.cmpi eq, %and3A_19, %eq3A : vector<256x4096xi32>
    %convert_element_type3A = arith.extui %eq3A_21 : vector<256x4096xi1> to vector<256x4096xi32>
    %convert_element_type3A_22 = arith.sitofp %convert_element_type3A : vector<256x4096xi32> to vector<256x4096xf32>
    %slice3A = vector.extract_strided_slice %convert_element_type3A_22 {offsets = [0, 0], sizes = [256, 128], strides = [1, 1]} : vector<256x4096xf32> to vector<256x128xf32>
    %get3A_23 = arith.constant 0 : index
    %get3A_24 = arith.constant 0 : index
    %get3A_25 = vector.load %arg5[%get3A_23, %get3A_24] : memref<128x128xf32, #tpu.memory_space<vmem>>, vector<128x128xf32>
    %dot_general3A_26 = arith.constant dense<0.000000e+00> : vector<256x128xf32>
    %dot_general3A_27 = tpu.matmul %slice3A, %get3A_25, %dot_general3A_26 {dimension_numbers = #tpu.dot_dimension_numbers<[1], [0], [0], [1], [0, 0, 1, 1], [], []>, transpose_lhs_hint = false} : vector<256x128xf32>, vector<128x128xf32>, vector<256x128xf32> -> vector<256x128xf32>
    %slice3A_28 = vector.extract_strided_slice %convert_element_type3A_22 {offsets = [0, 128], sizes = [256, 128], strides = [1, 1]} : vector<256x4096xf32> to vector<256x128xf32>
    %get3A_29 = arith.constant 0 : index
    %get3A_30 = arith.constant 0 : index
    %get3A_31 = vector.load %arg5[%get3A_29, %get3A_30] : memref<128x128xf32, #tpu.memory_space<vmem>>, vector<128x128xf32>
    %dot_general3A_32 = arith.constant dense<0.000000e+00> : vector<256x128xf32>
    %dot_general3A_33 = tpu.matmul %slice3A_28, %get3A_31, %dot_general3A_32 {dimension_numbers = #tpu.dot_dimension_numbers<[1], [0], [0], [1], [0, 0, 1, 1], [], []>, transpose_lhs_hint = false} : vector<256x128xf32>, vector<128x128xf32>, vector<256x128xf32> -> vector<256x128xf32>
    %slice3A_34 = vector.extract_strided_slice %convert_element_type3A_22 {offsets = [0, 256], sizes = [256, 128], strides = [1, 1]} : vector<256x4096xf32> to vector<256x128xf32>
    %get3A_35 = arith.constant 0 : index
    %get3A_36 = arith.constant 0 : index
    %get3A_37 = vector.load %arg5[%get3A_35, %get3A_36] : memref<128x128xf32, #tpu.memory_space<vmem>>, vector<128x128xf32>
    %dot_general3A_38 = arith.constant dense<0.000000e+00> : vector<256x128xf32>
    %dot_general3A_39 = tpu.matmul %slice3A_34, %get3A_37, %dot_general3A_38 {dimension_numbers = #tpu.dot_dimension_numbers<[1], [0], [0], [1], [0, 0, 1, 1], [], []>, transpose_lhs_hint = false} : vector<256x128xf32>, vector<128x128xf32>, vector<256x128xf32> -> vector<256x128xf32>
    %slice3A_40 = vector.extract_strided_slice %convert_element_type3A_22 {offsets = [0, 384], sizes = [256, 128], strides = [1, 1]} : vector<256x4096xf32> to vector<256x128xf32>
    %get3A_41 = arith.constant 0 : index
    %get3A_42 = arith.constant 0 : index
    %get3A_43 = vector.load %arg5[%get3A_41, %get3A_42] : memref<128x128xf32, #tpu.memory_space<vmem>>, vector<128x128xf32>
    %dot_general3A_44 = arith.constant dense<0.000000e+00> : vector<256x128xf32>
    %dot_general3A_45 = tpu.matmul %slice3A_40, %get3A_43, %dot_general3A_44 {dimension_numbers = #tpu.dot_dimension_numbers<[1], [0], [0], [1], [0, 0, 1, 1], [], []>, transpose_lhs_hint = false} : vector<256x128xf32>, vector<128x128xf32>, vector<256x128xf32> -> vector<256x128xf32>
    %slice3A_46 = vector.extract_strided_slice %convert_element_type3A_22 {offsets = [0, 512], sizes = [256, 128], strides = [1, 1]} : vector<256x4096xf32> to vector<256x128xf32>
    %get3A_47 = arith.constant 0 : index
    %get3A_48 = arith.constant 0 : index
    %get3A_49 = vector.load %arg5[%get3A_47, %get3A_48] : memref<128x128xf32, #tpu.memory_space<vmem>>, vector<128x128xf32>
    %dot_general3A_50 = arith.constant dense<0.000000e+00> : vector<256x128xf32>
    %dot_general3A_51 = tpu.matmul %slice3A_46, %get3A_49, %dot_general3A_50 {dimension_numbers = #tpu.dot_dimension_numbers<[1], [0], [0], [1], [0, 0, 1, 1], [], []>, transpose_lhs_hint = false} : vector<256x128xf32>, vector<128x128xf32>, vector<256x128xf32> -> vector<256x128xf32>
    %slice3A_52 = vector.extract_strided_slice %convert_element_type3A_22 {offsets = [0, 640], sizes = [256, 128], strides = [1, 1]} : vector<256x4096xf32> to vector<256x128xf32>
    %get3A_53 = arith.constant 0 : index
    %get3A_54 = arith.constant 0 : index
    %get3A_55 = vector.load %arg5[%get3A_53, %get3A_54] : memref<128x128xf32, #tpu.memory_space<vmem>>, vector<128x128xf32>
    %dot_general3A_56 = arith.constant dense<0.000000e+00> : vector<256x128xf32>
    %dot_general3A_57 = tpu.matmul %slice3A_52, %get3A_55, %dot_general3A_56 {dimension_numbers = #tpu.dot_dimension_numbers<[1], [0], [0], [1], [0, 0, 1, 1], [], []>, transpose_lhs_hint = false} : vector<256x128xf32>, vector<128x128xf32>, vector<256x128xf32> -> vector<256x128xf32>
    %slice3A_58 = vector.extract_strided_slice %convert_element_type3A_22 {offsets = [0, 768], sizes = [256, 128], strides = [1, 1]} : vector<256x4096xf32> to vector<256x128xf32>
    %get3A_59 = arith.constant 0 : index
    %get3A_60 = arith.constant 0 : index
    %get3A_61 = vector.load %arg5[%get3A_59, %get3A_60] : memref<128x128xf32, #tpu.memory_space<vmem>>, vector<128x128xf32>
    %dot_general3A_62 = arith.constant dense<0.000000e+00> : vector<256x128xf32>
    %dot_general3A_63 = tpu.matmul %slice3A_58, %get3A_61, %dot_general3A_62 {dimension_numbers = #tpu.dot_dimension_numbers<[1], [0], [0], [1], [0, 0, 1, 1], [], []>, transpose_lhs_hint = false} : vector<256x128xf32>, vector<128x128xf32>, vector<256x128xf32> -> vector<256x128xf32>
    %slice3A_64 = vector.extract_strided_slice %convert_element_type3A_22 {offsets = [0, 896], sizes = [256, 128], strides = [1, 1]} : vector<256x4096xf32> to vector<256x128xf32>
    %get3A_65 = arith.constant 0 : index
    %get3A_66 = arith.constant 0 : index
    %get3A_67 = vector.load %arg5[%get3A_65, %get3A_66] : memref<128x128xf32, #tpu.memory_space<vmem>>, vector<128x128xf32>
    %dot_general3A_68 = arith.constant dense<0.000000e+00> : vector<256x128xf32>
    %dot_general3A_69 = tpu.matmul %slice3A_64, %get3A_67, %dot_general3A_68 {dimension_numbers = #tpu.dot_dimension_numbers<[1], [0], [0], [1], [0, 0, 1, 1], [], []>, transpose_lhs_hint = false} : vector<256x128xf32>, vector<128x128xf32>, vector<256x128xf32> -> vector<256x128xf32>
    %slice3A_70 = vector.extract_strided_slice %convert_element_type3A_22 {offsets = [0, 1024], sizes = [256, 128], strides = [1, 1]} : vector<256x4096xf32> to vector<256x128xf32>
    %get3A_71 = arith.constant 0 : index
    %get3A_72 = arith.constant 0 : index
    %get3A_73 = vector.load %arg5[%get3A_71, %get3A_72] : memref<128x128xf32, #tpu.memory_space<vmem>>, vector<128x128xf32>
    %dot_general3A_74 = arith.constant dense<0.000000e+00> : vector<256x128xf32>
    %dot_general3A_75 = tpu.matmul %slice3A_70, %get3A_73, %dot_general3A_74 {dimension_numbers = #tpu.dot_dimension_numbers<[1], [0], [0], [1], [0, 0, 1, 1], [], []>, transpose_lhs_hint = false} : vector<256x128xf32>, vector<128x128xf32>, vector<256x128xf32> -> vector<256x128xf32>
    %slice3A_76 = vector.extract_strided_slice %convert_element_type3A_22 {offsets = [0, 1152], sizes = [256, 128], strides = [1, 1]} : vector<256x4096xf32> to vector<256x128xf32>
    %get3A_77 = arith.constant 0 : index
    %get3A_78 = arith.constant 0 : index
    %get3A_79 = vector.load %arg5[%get3A_77, %get3A_78] : memref<128x128xf32, #tpu.memory_space<vmem>>, vector<128x128xf32>
    %dot_general3A_80 = arith.constant dense<0.000000e+00> : vector<256x128xf32>
    %dot_general3A_81 = tpu.matmul %slice3A_76, %get3A_79, %dot_general3A_80 {dimension_numbers = #tpu.dot_dimension_numbers<[1], [0], [0], [1], [0, 0, 1, 1], [], []>, transpose_lhs_hint = false} : vector<256x128xf32>, vector<128x128xf32>, vector<256x128xf32> -> vector<256x128xf32>
    %slice3A_82 = vector.extract_strided_slice %convert_element_type3A_22 {offsets = [0, 1280], sizes = [256, 128], strides = [1, 1]} : vector<256x4096xf32> to vector<256x128xf32>
    %get3A_83 = arith.constant 0 : index
    %get3A_84 = arith.constant 0 : index
    %get3A_85 = vector.load %arg5[%get3A_83, %get3A_84] : memref<128x128xf32, #tpu.memory_space<vmem>>, vector<128x128xf32>
    %dot_general3A_86 = arith.constant dense<0.000000e+00> : vector<256x128xf32>
    %dot_general3A_87 = tpu.matmul %slice3A_82, %get3A_85, %dot_general3A_86 {dimension_numbers = #tpu.dot_dimension_numbers<[1], [0], [0], [1], [0, 0, 1, 1], [], []>, transpose_lhs_hint = false} : vector<256x128xf32>, vector<128x128xf32>, vector<256x128xf32> -> vector<256x128xf32>
    %slice3A_88 = vector.extract_strided_slice %convert_element_type3A_22 {offsets = [0, 1408], sizes = [256, 128], strides = [1, 1]} : vector<256x4096xf32> to vector<256x128xf32>
    %get3A_89 = arith.constant 0 : index
    %get3A_90 = arith.constant 0 : index
    %get3A_91 = vector.load %arg5[%get3A_89, %get3A_90] : memref<128x128xf32, #tpu.memory_space<vmem>>, vector<128x128xf32>
    %dot_general3A_92 = arith.constant dense<0.000000e+00> : vector<256x128xf32>
    %dot_general3A_93 = tpu.matmul %slice3A_88, %get3A_91, %dot_general3A_92 {dimension_numbers = #tpu.dot_dimension_numbers<[1], [0], [0], [1], [0, 0, 1, 1], [], []>, transpose_lhs_hint = false} : vector<256x128xf32>, vector<128x128xf32>, vector<256x128xf32> -> vector<256x128xf32>
    %slice3A_94 = vector.extract_strided_slice %convert_element_type3A_22 {offsets = [0, 1536], sizes = [256, 128], strides = [1, 1]} : vector<256x4096xf32> to vector<256x128xf32>
    %get3A_95 = arith.constant 0 : index
    %get3A_96 = arith.constant 0 : index
    %get3A_97 = vector.load %arg5[%get3A_95, %get3A_96] : memref<128x128xf32, #tpu.memory_space<vmem>>, vector<128x128xf32>
    %dot_general3A_98 = arith.constant dense<0.000000e+00> : vector<256x128xf32>
    %dot_general3A_99 = tpu.matmul %slice3A_94, %get3A_97, %dot_general3A_98 {dimension_numbers = #tpu.dot_dimension_numbers<[1], [0], [0], [1], [0, 0, 1, 1], [], []>, transpose_lhs_hint = false} : vector<256x128xf32>, vector<128x128xf32>, vector<256x128xf32> -> vector<256x128xf32>
    %slice3A_100 = vector.extract_strided_slice %convert_element_type3A_22 {offsets = [0, 1664], sizes = [256, 128], strides = [1, 1]} : vector<256x4096xf32> to vector<256x128xf32>
    %get3A_101 = arith.constant 0 : index
    %get3A_102 = arith.constant 0 : index
    %get3A_103 = vector.load %arg5[%get3A_101, %get3A_102] : memref<128x128xf32, #tpu.memory_space<vmem>>, vector<128x128xf32>
    %dot_general3A_104 = arith.constant dense<0.000000e+00> : vector<256x128xf32>
    %dot_general3A_105 = tpu.matmul %slice3A_100, %get3A_103, %dot_general3A_104 {dimension_numbers = #tpu.dot_dimension_numbers<[1], [0], [0], [1], [0, 0, 1, 1], [], []>, transpose_lhs_hint = false} : vector<256x128xf32>, vector<128x128xf32>, vector<256x128xf32> -> vector<256x128xf32>
    %slice3A_106 = vector.extract_strided_slice %convert_element_type3A_22 {offsets = [0, 1792], sizes = [256, 128], strides = [1, 1]} : vector<256x4096xf32> to vector<256x128xf32>
    %get3A_107 = arith.constant 0 : index
    %get3A_108 = arith.constant 0 : index
    %get3A_109 = vector.load %arg5[%get3A_107, %get3A_108] : memref<128x128xf32, #tpu.memory_space<vmem>>, vector<128x128xf32>
    %dot_general3A_110 = arith.constant dense<0.000000e+00> : vector<256x128xf32>
    %dot_general3A_111 = tpu.matmul %slice3A_106, %get3A_109, %dot_general3A_110 {dimension_numbers = #tpu.dot_dimension_numbers<[1], [0], [0], [1], [0, 0, 1, 1], [], []>, transpose_lhs_hint = false} : vector<256x128xf32>, vector<128x128xf32>, vector<256x128xf32> -> vector<256x128xf32>
    %slice3A_112 = vector.extract_strided_slice %convert_element_type3A_22 {offsets = [0, 1920], sizes = [256, 128], strides = [1, 1]} : vector<256x4096xf32> to vector<256x128xf32>
    %get3A_113 = arith.constant 0 : index
    %get3A_114 = arith.constant 0 : index
    %get3A_115 = vector.load %arg5[%get3A_113, %get3A_114] : memref<128x128xf32, #tpu.memory_space<vmem>>, vector<128x128xf32>
    %dot_general3A_116 = arith.constant dense<0.000000e+00> : vector<256x128xf32>
    %dot_general3A_117 = tpu.matmul %slice3A_112, %get3A_115, %dot_general3A_116 {dimension_numbers = #tpu.dot_dimension_numbers<[1], [0], [0], [1], [0, 0, 1, 1], [], []>, transpose_lhs_hint = false} : vector<256x128xf32>, vector<128x128xf32>, vector<256x128xf32> -> vector<256x128xf32>
    %slice3A_118 = vector.extract_strided_slice %convert_element_type3A_22 {offsets = [0, 2048], sizes = [256, 128], strides = [1, 1]} : vector<256x4096xf32> to vector<256x128xf32>
    %get3A_119 = arith.constant 0 : index
    %get3A_120 = arith.constant 0 : index
    %get3A_121 = vector.load %arg5[%get3A_119, %get3A_120] : memref<128x128xf32, #tpu.memory_space<vmem>>, vector<128x128xf32>
    %dot_general3A_122 = arith.constant dense<0.000000e+00> : vector<256x128xf32>
    %dot_general3A_123 = tpu.matmul %slice3A_118, %get3A_121, %dot_general3A_122 {dimension_numbers = #tpu.dot_dimension_numbers<[1], [0], [0], [1], [0, 0, 1, 1], [], []>, transpose_lhs_hint = false} : vector<256x128xf32>, vector<128x128xf32>, vector<256x128xf32> -> vector<256x128xf32>
    %slice3A_124 = vector.extract_strided_slice %convert_element_type3A_22 {offsets = [0, 2176], sizes = [256, 128], strides = [1, 1]} : vector<256x4096xf32> to vector<256x128xf32>
    %get3A_125 = arith.constant 0 : index
    %get3A_126 = arith.constant 0 : index
    %get3A_127 = vector.load %arg5[%get3A_125, %get3A_126] : memref<128x128xf32, #tpu.memory_space<vmem>>, vector<128x128xf32>
    %dot_general3A_128 = arith.constant dense<0.000000e+00> : vector<256x128xf32>
    %dot_general3A_129 = tpu.matmul %slice3A_124, %get3A_127, %dot_general3A_128 {dimension_numbers = #tpu.dot_dimension_numbers<[1], [0], [0], [1], [0, 0, 1, 1], [], []>, transpose_lhs_hint = false} : vector<256x128xf32>, vector<128x128xf32>, vector<256x128xf32> -> vector<256x128xf32>
    %slice3A_130 = vector.extract_strided_slice %convert_element_type3A_22 {offsets = [0, 2304], sizes = [256, 128], strides = [1, 1]} : vector<256x4096xf32> to vector<256x128xf32>
    %get3A_131 = arith.constant 0 : index
    %get3A_132 = arith.constant 0 : index
    %get3A_133 = vector.load %arg5[%get3A_131, %get3A_132] : memref<128x128xf32, #tpu.memory_space<vmem>>, vector<128x128xf32>
    %dot_general3A_134 = arith.constant dense<0.000000e+00> : vector<256x128xf32>
    %dot_general3A_135 = tpu.matmul %slice3A_130, %get3A_133, %dot_general3A_134 {dimension_numbers = #tpu.dot_dimension_numbers<[1], [0], [0], [1], [0, 0, 1, 1], [], []>, transpose_lhs_hint = false} : vector<256x128xf32>, vector<128x128xf32>, vector<256x128xf32> -> vector<256x128xf32>
    %slice3A_136 = vector.extract_strided_slice %convert_element_type3A_22 {offsets = [0, 2432], sizes = [256, 128], strides = [1, 1]} : vector<256x4096xf32> to vector<256x128xf32>
    %get3A_137 = arith.constant 0 : index
    %get3A_138 = arith.constant 0 : index
    %get3A_139 = vector.load %arg5[%get3A_137, %get3A_138] : memref<128x128xf32, #tpu.memory_space<vmem>>, vector<128x128xf32>
    %dot_general3A_140 = arith.constant dense<0.000000e+00> : vector<256x128xf32>
    %dot_general3A_141 = tpu.matmul %slice3A_136, %get3A_139, %dot_general3A_140 {dimension_numbers = #tpu.dot_dimension_numbers<[1], [0], [0], [1], [0, 0, 1, 1], [], []>, transpose_lhs_hint = false} : vector<256x128xf32>, vector<128x128xf32>, vector<256x128xf32> -> vector<256x128xf32>
    %slice3A_142 = vector.extract_strided_slice %convert_element_type3A_22 {offsets = [0, 2560], sizes = [256, 128], strides = [1, 1]} : vector<256x4096xf32> to vector<256x128xf32>
    %get3A_143 = arith.constant 0 : index
    %get3A_144 = arith.constant 0 : index
    %get3A_145 = vector.load %arg5[%get3A_143, %get3A_144] : memref<128x128xf32, #tpu.memory_space<vmem>>, vector<128x128xf32>
    %dot_general3A_146 = arith.constant dense<0.000000e+00> : vector<256x128xf32>
    %dot_general3A_147 = tpu.matmul %slice3A_142, %get3A_145, %dot_general3A_146 {dimension_numbers = #tpu.dot_dimension_numbers<[1], [0], [0], [1], [0, 0, 1, 1], [], []>, transpose_lhs_hint = false} : vector<256x128xf32>, vector<128x128xf32>, vector<256x128xf32> -> vector<256x128xf32>
    %slice3A_148 = vector.extract_strided_slice %convert_element_type3A_22 {offsets = [0, 2688], sizes = [256, 128], strides = [1, 1]} : vector<256x4096xf32> to vector<256x128xf32>
    %get3A_149 = arith.constant 0 : index
    %get3A_150 = arith.constant 0 : index
    %get3A_151 = vector.load %arg5[%get3A_149, %get3A_150] : memref<128x128xf32, #tpu.memory_space<vmem>>, vector<128x128xf32>
    %dot_general3A_152 = arith.constant dense<0.000000e+00> : vector<256x128xf32>
    %dot_general3A_153 = tpu.matmul %slice3A_148, %get3A_151, %dot_general3A_152 {dimension_numbers = #tpu.dot_dimension_numbers<[1], [0], [0], [1], [0, 0, 1, 1], [], []>, transpose_lhs_hint = false} : vector<256x128xf32>, vector<128x128xf32>, vector<256x128xf32> -> vector<256x128xf32>
    %slice3A_154 = vector.extract_strided_slice %convert_element_type3A_22 {offsets = [0, 2816], sizes = [256, 128], strides = [1, 1]} : vector<256x4096xf32> to vector<256x128xf32>
    %get3A_155 = arith.constant 0 : index
    %get3A_156 = arith.constant 0 : index
    %get3A_157 = vector.load %arg5[%get3A_155, %get3A_156] : memref<128x128xf32, #tpu.memory_space<vmem>>, vector<128x128xf32>
    %dot_general3A_158 = arith.constant dense<0.000000e+00> : vector<256x128xf32>
    %dot_general3A_159 = tpu.matmul %slice3A_154, %get3A_157, %dot_general3A_158 {dimension_numbers = #tpu.dot_dimension_numbers<[1], [0], [0], [1], [0, 0, 1, 1], [], []>, transpose_lhs_hint = false} : vector<256x128xf32>, vector<128x128xf32>, vector<256x128xf32> -> vector<256x128xf32>
    %slice3A_160 = vector.extract_strided_slice %convert_element_type3A_22 {offsets = [0, 2944], sizes = [256, 128], strides = [1, 1]} : vector<256x4096xf32> to vector<256x128xf32>
    %get3A_161 = arith.constant 0 : index
    %get3A_162 = arith.constant 0 : index
    %get3A_163 = vector.load %arg5[%get3A_161, %get3A_162] : memref<128x128xf32, #tpu.memory_space<vmem>>, vector<128x128xf32>
    %dot_general3A_164 = arith.constant dense<0.000000e+00> : vector<256x128xf32>
    %dot_general3A_165 = tpu.matmul %slice3A_160, %get3A_163, %dot_general3A_164 {dimension_numbers = #tpu.dot_dimension_numbers<[1], [0], [0], [1], [0, 0, 1, 1], [], []>, transpose_lhs_hint = false} : vector<256x128xf32>, vector<128x128xf32>, vector<256x128xf32> -> vector<256x128xf32>
    %slice3A_166 = vector.extract_strided_slice %convert_element_type3A_22 {offsets = [0, 3072], sizes = [256, 128], strides = [1, 1]} : vector<256x4096xf32> to vector<256x128xf32>
    %get3A_167 = arith.constant 0 : index
    %get3A_168 = arith.constant 0 : index
    %get3A_169 = vector.load %arg5[%get3A_167, %get3A_168] : memref<128x128xf32, #tpu.memory_space<vmem>>, vector<128x128xf32>
    %dot_general3A_170 = arith.constant dense<0.000000e+00> : vector<256x128xf32>
    %dot_general3A_171 = tpu.matmul %slice3A_166, %get3A_169, %dot_general3A_170 {dimension_numbers = #tpu.dot_dimension_numbers<[1], [0], [0], [1], [0, 0, 1, 1], [], []>, transpose_lhs_hint = false} : vector<256x128xf32>, vector<128x128xf32>, vector<256x128xf32> -> vector<256x128xf32>
    %slice3A_172 = vector.extract_strided_slice %convert_element_type3A_22 {offsets = [0, 3200], sizes = [256, 128], strides = [1, 1]} : vector<256x4096xf32> to vector<256x128xf32>
    %get3A_173 = arith.constant 0 : index
    %get3A_174 = arith.constant 0 : index
    %get3A_175 = vector.load %arg5[%get3A_173, %get3A_174] : memref<128x128xf32, #tpu.memory_space<vmem>>, vector<128x128xf32>
    %dot_general3A_176 = arith.constant dense<0.000000e+00> : vector<256x128xf32>
    %dot_general3A_177 = tpu.matmul %slice3A_172, %get3A_175, %dot_general3A_176 {dimension_numbers = #tpu.dot_dimension_numbers<[1], [0], [0], [1], [0, 0, 1, 1], [], []>, transpose_lhs_hint = false} : vector<256x128xf32>, vector<128x128xf32>, vector<256x128xf32> -> vector<256x128xf32>
    %slice3A_178 = vector.extract_strided_slice %convert_element_type3A_22 {offsets = [0, 3328], sizes = [256, 128], strides = [1, 1]} : vector<256x4096xf32> to vector<256x128xf32>
    %get3A_179 = arith.constant 0 : index
    %get3A_180 = arith.constant 0 : index
    %get3A_181 = vector.load %arg5[%get3A_179, %get3A_180] : memref<128x128xf32, #tpu.memory_space<vmem>>, vector<128x128xf32>
    %dot_general3A_182 = arith.constant dense<0.000000e+00> : vector<256x128xf32>
    %dot_general3A_183 = tpu.matmul %slice3A_178, %get3A_181, %dot_general3A_182 {dimension_numbers = #tpu.dot_dimension_numbers<[1], [0], [0], [1], [0, 0, 1, 1], [], []>, transpose_lhs_hint = false} : vector<256x128xf32>, vector<128x128xf32>, vector<256x128xf32> -> vector<256x128xf32>
    %slice3A_184 = vector.extract_strided_slice %convert_element_type3A_22 {offsets = [0, 3456], sizes = [256, 128], strides = [1, 1]} : vector<256x4096xf32> to vector<256x128xf32>
    %get3A_185 = arith.constant 0 : index
    %get3A_186 = arith.constant 0 : index
    %get3A_187 = vector.load %arg5[%get3A_185, %get3A_186] : memref<128x128xf32, #tpu.memory_space<vmem>>, vector<128x128xf32>
    %dot_general3A_188 = arith.constant dense<0.000000e+00> : vector<256x128xf32>
    %dot_general3A_189 = tpu.matmul %slice3A_184, %get3A_187, %dot_general3A_188 {dimension_numbers = #tpu.dot_dimension_numbers<[1], [0], [0], [1], [0, 0, 1, 1], [], []>, transpose_lhs_hint = false} : vector<256x128xf32>, vector<128x128xf32>, vector<256x128xf32> -> vector<256x128xf32>
    %slice3A_190 = vector.extract_strided_slice %convert_element_type3A_22 {offsets = [0, 3584], sizes = [256, 128], strides = [1, 1]} : vector<256x4096xf32> to vector<256x128xf32>
    %get3A_191 = arith.constant 0 : index
    %get3A_192 = arith.constant 0 : index
    %get3A_193 = vector.load %arg5[%get3A_191, %get3A_192] : memref<128x128xf32, #tpu.memory_space<vmem>>, vector<128x128xf32>
    %dot_general3A_194 = arith.constant dense<0.000000e+00> : vector<256x128xf32>
    %dot_general3A_195 = tpu.matmul %slice3A_190, %get3A_193, %dot_general3A_194 {dimension_numbers = #tpu.dot_dimension_numbers<[1], [0], [0], [1], [0, 0, 1, 1], [], []>, transpose_lhs_hint = false} : vector<256x128xf32>, vector<128x128xf32>, vector<256x128xf32> -> vector<256x128xf32>
    %slice3A_196 = vector.extract_strided_slice %convert_element_type3A_22 {offsets = [0, 3712], sizes = [256, 128], strides = [1, 1]} : vector<256x4096xf32> to vector<256x128xf32>
    %get3A_197 = arith.constant 0 : index
    %get3A_198 = arith.constant 0 : index
    %get3A_199 = vector.load %arg5[%get3A_197, %get3A_198] : memref<128x128xf32, #tpu.memory_space<vmem>>, vector<128x128xf32>
    %dot_general3A_200 = arith.constant dense<0.000000e+00> : vector<256x128xf32>
    %dot_general3A_201 = tpu.matmul %slice3A_196, %get3A_199, %dot_general3A_200 {dimension_numbers = #tpu.dot_dimension_numbers<[1], [0], [0], [1], [0, 0, 1, 1], [], []>, transpose_lhs_hint = false} : vector<256x128xf32>, vector<128x128xf32>, vector<256x128xf32> -> vector<256x128xf32>
    %slice3A_202 = vector.extract_strided_slice %convert_element_type3A_22 {offsets = [0, 3840], sizes = [256, 128], strides = [1, 1]} : vector<256x4096xf32> to vector<256x128xf32>
    %get3A_203 = arith.constant 0 : index
    %get3A_204 = arith.constant 0 : index
    %get3A_205 = vector.load %arg5[%get3A_203, %get3A_204] : memref<128x128xf32, #tpu.memory_space<vmem>>, vector<128x128xf32>
    %dot_general3A_206 = arith.constant dense<0.000000e+00> : vector<256x128xf32>
    %dot_general3A_207 = tpu.matmul %slice3A_202, %get3A_205, %dot_general3A_206 {dimension_numbers = #tpu.dot_dimension_numbers<[1], [0], [0], [1], [0, 0, 1, 1], [], []>, transpose_lhs_hint = false} : vector<256x128xf32>, vector<128x128xf32>, vector<256x128xf32> -> vector<256x128xf32>
    %slice3A_208 = vector.extract_strided_slice %convert_element_type3A_22 {offsets = [0, 3968], sizes = [256, 128], strides = [1, 1]} : vector<256x4096xf32> to vector<256x128xf32>
    %get3A_209 = arith.constant 0 : index
    %get3A_210 = arith.constant 0 : index
    %get3A_211 = vector.load %arg5[%get3A_209, %get3A_210] : memref<128x128xf32, #tpu.memory_space<vmem>>, vector<128x128xf32>
    %dot_general3A_212 = arith.constant dense<0.000000e+00> : vector<256x128xf32>
    %dot_general3A_213 = tpu.matmul %slice3A_208, %get3A_211, %dot_general3A_212 {dimension_numbers = #tpu.dot_dimension_numbers<[1], [0], [0], [1], [0, 0, 1, 1], [], []>, transpose_lhs_hint = false} : vector<256x128xf32>, vector<128x128xf32>, vector<256x128xf32> -> vector<256x128xf32>
    %concatenate3A = tpu.concatenate %dot_general3A_27, %dot_general3A_33, %dot_general3A_39, %dot_general3A_45, %dot_general3A_51, %dot_general3A_57, %dot_general3A_63, %dot_general3A_69, %dot_general3A_75, %dot_general3A_81, %dot_general3A_87, %dot_general3A_93, %dot_general3A_99, %dot_general3A_105, %dot_general3A_111, %dot_general3A_117, %dot_general3A_123, %dot_general3A_129, %dot_general3A_135, %dot_general3A_141, %dot_general3A_147, %dot_general3A_153, %dot_general3A_159, %dot_general3A_165, %dot_general3A_171, %dot_general3A_177, %dot_general3A_183, %dot_general3A_189, %dot_general3A_195, %dot_general3A_201, %dot_general3A_207, %dot_general3A_213 in 1 : vector<256x128xf32>, vector<256x128xf32>, vector<256x128xf32>, vector<256x128xf32>, vector<256x128xf32>, vector<256x128xf32>, vector<256x128xf32>, vector<256x128xf32>, vector<256x128xf32>, vector<256x128xf32>, vector<256x128xf32>, vector<256x128xf32>, vector<256x128xf32>, vector<256x128xf32>, vector<256x128xf32>, vector<256x128xf32>, vector<256x128xf32>, vector<256x128xf32>, vector<256x128xf32>, vector<256x128xf32>, vector<256x128xf32>, vector<256x128xf32>, vector<256x128xf32>, vector<256x128xf32>, vector<256x128xf32>, vector<256x128xf32>, vector<256x128xf32>, vector<256x128xf32>, vector<256x128xf32>, vector<256x128xf32>, vector<256x128xf32>, vector<256x128xf32> -> vector<256x4096xf32>
    %slice3A_214 = vector.extract_strided_slice %dot_general3A_27 {offsets = [0, 127], sizes = [256, 1], strides = [1, 1]} : vector<256x128xf32> to vector<256x1xf32>
    %slice3A_215 = vector.extract_strided_slice %dot_general3A_33 {offsets = [0, 127], sizes = [256, 1], strides = [1, 1]} : vector<256x128xf32> to vector<256x1xf32>
    %slice3A_216 = vector.extract_strided_slice %dot_general3A_39 {offsets = [0, 127], sizes = [256, 1], strides = [1, 1]} : vector<256x128xf32> to vector<256x1xf32>
    %slice3A_217 = vector.extract_strided_slice %dot_general3A_45 {offsets = [0, 127], sizes = [256, 1], strides = [1, 1]} : vector<256x128xf32> to vector<256x1xf32>
    %slice3A_218 = vector.extract_strided_slice %dot_general3A_51 {offsets = [0, 127], sizes = [256, 1], strides = [1, 1]} : vector<256x128xf32> to vector<256x1xf32>
    %slice3A_219 = vector.extract_strided_slice %dot_general3A_57 {offsets = [0, 127], sizes = [256, 1], strides = [1, 1]} : vector<256x128xf32> to vector<256x1xf32>
    %slice3A_220 = vector.extract_strided_slice %dot_general3A_63 {offsets = [0, 127], sizes = [256, 1], strides = [1, 1]} : vector<256x128xf32> to vector<256x1xf32>
    %slice3A_221 = vector.extract_strided_slice %dot_general3A_69 {offsets = [0, 127], sizes = [256, 1], strides = [1, 1]} : vector<256x128xf32> to vector<256x1xf32>
    %slice3A_222 = vector.extract_strided_slice %dot_general3A_75 {offsets = [0, 127], sizes = [256, 1], strides = [1, 1]} : vector<256x128xf32> to vector<256x1xf32>
    %slice3A_223 = vector.extract_strided_slice %dot_general3A_81 {offsets = [0, 127], sizes = [256, 1], strides = [1, 1]} : vector<256x128xf32> to vector<256x1xf32>
    %slice3A_224 = vector.extract_strided_slice %dot_general3A_87 {offsets = [0, 127], sizes = [256, 1], strides = [1, 1]} : vector<256x128xf32> to vector<256x1xf32>
    %slice3A_225 = vector.extract_strided_slice %dot_general3A_93 {offsets = [0, 127], sizes = [256, 1], strides = [1, 1]} : vector<256x128xf32> to vector<256x1xf32>
    %slice3A_226 = vector.extract_strided_slice %dot_general3A_99 {offsets = [0, 127], sizes = [256, 1], strides = [1, 1]} : vector<256x128xf32> to vector<256x1xf32>
    %slice3A_227 = vector.extract_strided_slice %dot_general3A_105 {offsets = [0, 127], sizes = [256, 1], strides = [1, 1]} : vector<256x128xf32> to vector<256x1xf32>
    %slice3A_228 = vector.extract_strided_slice %dot_general3A_111 {offsets = [0, 127], sizes = [256, 1], strides = [1, 1]} : vector<256x128xf32> to vector<256x1xf32>
    %slice3A_229 = vector.extract_strided_slice %dot_general3A_117 {offsets = [0, 127], sizes = [256, 1], strides = [1, 1]} : vector<256x128xf32> to vector<256x1xf32>
    %slice3A_230 = vector.extract_strided_slice %dot_general3A_123 {offsets = [0, 127], sizes = [256, 1], strides = [1, 1]} : vector<256x128xf32> to vector<256x1xf32>
    %slice3A_231 = vector.extract_strided_slice %dot_general3A_129 {offsets = [0, 127], sizes = [256, 1], strides = [1, 1]} : vector<256x128xf32> to vector<256x1xf32>
    %slice3A_232 = vector.extract_strided_slice %dot_general3A_135 {offsets = [0, 127], sizes = [256, 1], strides = [1, 1]} : vector<256x128xf32> to vector<256x1xf32>
    %slice3A_233 = vector.extract_strided_slice %dot_general3A_141 {offsets = [0, 127], sizes = [256, 1], strides = [1, 1]} : vector<256x128xf32> to vector<256x1xf32>
    %slice3A_234 = vector.extract_strided_slice %dot_general3A_147 {offsets = [0, 127], sizes = [256, 1], strides = [1, 1]} : vector<256x128xf32> to vector<256x1xf32>
    %slice3A_235 = vector.extract_strided_slice %dot_general3A_153 {offsets = [0, 127], sizes = [256, 1], strides = [1, 1]} : vector<256x128xf32> to vector<256x1xf32>
    %slice3A_236 = vector.extract_strided_slice %dot_general3A_159 {offsets = [0, 127], sizes = [256, 1], strides = [1, 1]} : vector<256x128xf32> to vector<256x1xf32>
    %slice3A_237 = vector.extract_strided_slice %dot_general3A_165 {offsets = [0, 127], sizes = [256, 1], strides = [1, 1]} : vector<256x128xf32> to vector<256x1xf32>
    %slice3A_238 = vector.extract_strided_slice %dot_general3A_171 {offsets = [0, 127], sizes = [256, 1], strides = [1, 1]} : vector<256x128xf32> to vector<256x1xf32>
    %slice3A_239 = vector.extract_strided_slice %dot_general3A_177 {offsets = [0, 127], sizes = [256, 1], strides = [1, 1]} : vector<256x128xf32> to vector<256x1xf32>
    %slice3A_240 = vector.extract_strided_slice %dot_general3A_183 {offsets = [0, 127], sizes = [256, 1], strides = [1, 1]} : vector<256x128xf32> to vector<256x1xf32>
    %slice3A_241 = vector.extract_strided_slice %dot_general3A_189 {offsets = [0, 127], sizes = [256, 1], strides = [1, 1]} : vector<256x128xf32> to vector<256x1xf32>
    %slice3A_242 = vector.extract_strided_slice %dot_general3A_195 {offsets = [0, 127], sizes = [256, 1], strides = [1, 1]} : vector<256x128xf32> to vector<256x1xf32>
    %slice3A_243 = vector.extract_strided_slice %dot_general3A_201 {offsets = [0, 127], sizes = [256, 1], strides = [1, 1]} : vector<256x128xf32> to vector<256x1xf32>
    %slice3A_244 = vector.extract_strided_slice %dot_general3A_207 {offsets = [0, 127], sizes = [256, 1], strides = [1, 1]} : vector<256x128xf32> to vector<256x1xf32>
    %slice3A_245 = vector.extract_strided_slice %dot_general3A_213 {offsets = [0, 127], sizes = [256, 1], strides = [1, 1]} : vector<256x128xf32> to vector<256x1xf32>
    %concatenate3A_246 = tpu.concatenate %slice3A_214, %slice3A_215, %slice3A_216, %slice3A_217, %slice3A_218, %slice3A_219, %slice3A_220, %slice3A_221, %slice3A_222, %slice3A_223, %slice3A_224, %slice3A_225, %slice3A_226, %slice3A_227, %slice3A_228, %slice3A_229, %slice3A_230, %slice3A_231, %slice3A_232, %slice3A_233, %slice3A_234, %slice3A_235, %slice3A_236, %slice3A_237, %slice3A_238, %slice3A_239, %slice3A_240, %slice3A_241, %slice3A_242, %slice3A_243, %slice3A_244, %slice3A_245 in 1 : vector<256x1xf32>, vector<256x1xf32>, vector<256x1xf32>, vector<256x1xf32>, vector<256x1xf32>, vector<256x1xf32>, vector<256x1xf32>, vector<256x1xf32>, vector<256x1xf32>, vector<256x1xf32>, vector<256x1xf32>, vector<256x1xf32>, vector<256x1xf32>, vector<256x1xf32>, vector<256x1xf32>, vector<256x1xf32>, vector<256x1xf32>, vector<256x1xf32>, vector<256x1xf32>, vector<256x1xf32>, vector<256x1xf32>, vector<256x1xf32>, vector<256x1xf32>, vector<256x1xf32>, vector<256x1xf32>, vector<256x1xf32>, vector<256x1xf32>, vector<256x1xf32>, vector<256x1xf32>, vector<256x1xf32>, vector<256x1xf32>, vector<256x1xf32> -> vector<256x32xf32>
    %get3A_247 = arith.constant 0 : index
    %get3A_248 = arith.constant 0 : index
    %get3A_249 = vector.load %arg6[%get3A_247, %get3A_248] : memref<32x32xf32, #tpu.memory_space<vmem>>, vector<32x32xf32>
    %dot_general3A_250 = arith.constant dense<0.000000e+00> : vector<256x32xf32>
    %dot_general3A_251 = tpu.matmul %concatenate3A_246, %get3A_249, %dot_general3A_250 {dimension_numbers = #tpu.dot_dimension_numbers<[1], [0], [0], [1], [0, 0, 1, 1], [], []>, transpose_lhs_hint = false} : vector<256x32xf32>, vector<32x32xf32>, vector<256x32xf32> -> vector<256x32xf32>
    %get3A_252 = arith.constant 0 : index
    %get3A_253 = arith.constant 0 : index
    %get3A_254 = vector.load %arg7[%get3A_252, %get3A_253] : memref<4096x32xf32, #tpu.memory_space<vmem>>, vector<4096x32xf32>
    %dot_general3A_255 = arith.constant dense<0.000000e+00> : vector<256x4096xf32>
    %dot_general3A_256 = tpu.matmul %dot_general3A_251, %get3A_254, %dot_general3A_255 {dimension_numbers = #tpu.dot_dimension_numbers<[1], [1], [0], [0], [0, 0, 1, 0], [], []>, transpose_lhs_hint = false} : vector<256x32xf32>, vector<4096x32xf32>, vector<256x4096xf32> -> vector<256x4096xf32>
    %slice3A_257 = vector.extract_strided_slice %dot_general3A_251 {offsets = [0, 31], sizes = [256, 1], strides = [1, 1]} : vector<256x32xf32> to vector<256x1xf32>
    %slice3A_258 = vector.extract_strided_slice %concatenate3A_246 {offsets = [0, 31], sizes = [256, 1], strides = [1, 1]} : vector<256x32xf32> to vector<256x1xf32>
    %add3A = arith.addf %slice3A_257, %slice3A_258 : vector<256x1xf32>
    %ge3A = arith.constant 1.600000e+01 : f32
    %ge3A_259 = vector.broadcast %ge3A : f32 to vector<256x1xf32>
    %ge3A_260 = arith.cmpf oge, %add3A, %ge3A_259 : vector<256x1xf32>
    %reduce_and3A = arith.constant 1.000000e+00 : f32
    %reduce_and3A_261 = arith.constant 0.000000e+00 : f32
    %reduce_and3A_262 = vector.broadcast %reduce_and3A : f32 to vector<256x1xf32>
    %reduce_and3A_263 = vector.broadcast %reduce_and3A_261 : f32 to vector<256x1xf32>
    %reduce_and3A_264 = arith.select %ge3A_260, %reduce_and3A_262, %reduce_and3A_263 : vector<256x1xi1>, vector<256x1xf32>
    %reduce_and3A_265 = vector.shape_cast %reduce_and3A_264 : vector<256x1xf32> to vector<1x256x1xf32>
    %reduce_and3A_266 = arith.constant dense<0x7F800000> : vector<1xf32>
    %reduce_and3A_267 = vector.multi_reduction <minimumf>, %reduce_and3A_265, %reduce_and3A_266 [1, 2] : vector<1x256x1xf32> to vector<1xf32>
    %reduce_and3A_268 = vector.shape_cast %reduce_and3A_267 : vector<1xf32> to vector<1x1x1xf32>
    %reduce_and3A_269 = vector.extract %reduce_and3A_268[0, 0, 0] : f32 from vector<1x1x1xf32>
    %reduce_and3A_270 = arith.constant 0.000000e+00 : f32
    %reduce_and3A_271 = arith.cmpf ogt, %reduce_and3A_269, %reduce_and3A_270 : f32
    %gt3A = arith.constant 0.000000e+00 : f32
    %gt3A_272 = vector.broadcast %gt3A : f32 to vector<256x4096xf32>
    %gt3A_273 = arith.cmpf ogt, %convert_element_type3A_22, %gt3A_272 : vector<256x4096xf32>
    %add3A_274 = arith.addf %concatenate3A, %dot_general3A_256 : vector<256x4096xf32>
    %le3A = arith.constant 1.600000e+01 : f32
    %le3A_275 = vector.broadcast %le3A : f32 to vector<256x4096xf32>
    %le3A_276 = arith.cmpf ole, %add3A_274, %le3A_275 : vector<256x4096xf32>
    %and3A_277 = arith.andi %gt3A_273, %le3A_276 : vector<256x4096xi1>
    %jit3A = arith.constant 0.000000e+00 : f32
    %broadcast_in_dim3A_278 = vector.broadcast %jit3A : f32 to vector<256x4096xf32>
    %select_n3A = arith.select %and3A_277, %max3A_17, %broadcast_in_dim3A_278 : vector<256x4096xi1>, vector<256x4096xf32>
    %swap3A = arith.constant 0 : index
    %swap3A_279 = arith.constant 0 : index
    %swap3A_280 = vector.load %arg8[%swap3A, %swap3A_279] : memref<256x4096xf32, #tpu.memory_space<vmem>>, vector<256x4096xf32>
    tpu.vector_store %arg8[%swap3A, %swap3A_279], %select_n3A {strides = array<i32>} : memref<256x4096xf32, #tpu.memory_space<vmem>>, vector<256x4096xf32>,
    %not3A = arith.constant true
    %not3A_281 = arith.xori %reduce_and3A_271, %not3A : i1
    %convert_element_type3A_282 = arith.extui %not3A_281 : i1 to i32
    %cond3A = arith.constant 0 : i32
    %cond3A_283 = arith.cmpi ne, %convert_element_type3A_282, %cond3A : i32
    scf.if %cond3A_283 {
      %iota3A = tpu.iota {dimensions = array<i32: 1>} : vector<256x4096xi32>
      %sub3A_284 = arith.constant 4095 : i32
      %sub3A_285 = vector.broadcast %sub3A_284 : i32 to vector<256x4096xi32>
      %sub3A_286 = arith.subi %sub3A_285, %iota3A : vector<256x4096xi32>
      %or3A = arith.ori %and3A_19, %sub3A_286 : vector<256x4096xi32>
      %reduce_max3A_287 = arith.constant dense<-2147483648> : vector<256xi32>
      %reduce_max3A_288 = vector.multi_reduction <maxsi>, %or3A, %reduce_max3A_287 [1] : vector<256x4096xi32> to vector<256xi32>
      %broadcast_in_dim3A_289 = vector.shape_cast %reduce_max3A_288 : vector<256xi32> to vector<256x1xi32>
      %eq3A_290 = vector.broadcast %broadcast_in_dim3A_289 : vector<256x1xi32> to vector<256x4096xi32>
      %eq3A_291 = arith.cmpi eq, %or3A, %eq3A_290 : vector<256x4096xi32>
      %jit3A_292 = arith.constant -2147483648 : i32
      %broadcast_in_dim3A_293 = vector.broadcast %jit3A_292 : i32 to vector<256x4096xi32>
      %select_n3A_294 = arith.select %eq3A_291, %broadcast_in_dim3A_293, %or3A : vector<256x4096xi1>, vector<256x4096xi32>
      %reduce_max3A_295 = arith.constant dense<-2147483648> : vector<256xi32>
      %reduce_max3A_296 = vector.multi_reduction <maxsi>, %select_n3A_294, %reduce_max3A_295 [1] : vector<256x4096xi32> to vector<256xi32>
      %broadcast_in_dim3A_297 = vector.shape_cast %reduce_max3A_296 : vector<256xi32> to vector<256x1xi32>
      %eq3A_298 = vector.broadcast %broadcast_in_dim3A_297 : vector<256x1xi32> to vector<256x4096xi32>
      %eq3A_299 = arith.cmpi eq, %select_n3A_294, %eq3A_298 : vector<256x4096xi32>
      %jit3A_300 = arith.constant -2147483648 : i32
      %broadcast_in_dim3A_301 = vector.broadcast %jit3A_300 : i32 to vector<256x4096xi32>
      %select_n3A_302 = arith.select %eq3A_299, %broadcast_in_dim3A_301, %select_n3A_294 : vector<256x4096xi1>, vector<256x4096xi32>
      %reduce_max3A_303 = arith.constant dense<-2147483648> : vector<256xi32>
      %reduce_max3A_304 = vector.multi_reduction <maxsi>, %select_n3A_302, %reduce_max3A_303 [1] : vector<256x4096xi32> to vector<256xi32>
      %broadcast_in_dim3A_305 = vector.shape_cast %reduce_max3A_304 : vector<256xi32> to vector<256x1xi32>
      %eq3A_306 = vector.broadcast %broadcast_in_dim3A_305 : vector<256x1xi32> to vector<256x4096xi32>
      %eq3A_307 = arith.cmpi eq, %select_n3A_302, %eq3A_306 : vector<256x4096xi32>
      %jit3A_308 = arith.constant -2147483648 : i32
      %broadcast_in_dim3A_309 = vector.broadcast %jit3A_308 : i32 to vector<256x4096xi32>
      %select_n3A_310 = arith.select %eq3A_307, %broadcast_in_dim3A_309, %select_n3A_302 : vector<256x4096xi1>, vector<256x4096xi32>
      %reduce_max3A_311 = arith.constant dense<-2147483648> : vector<256xi32>
      %reduce_max3A_312 = vector.multi_reduction <maxsi>, %select_n3A_310, %reduce_max3A_311 [1] : vector<256x4096xi32> to vector<256xi32>
      %broadcast_in_dim3A_313 = vector.shape_cast %reduce_max3A_312 : vector<256xi32> to vector<256x1xi32>
      %eq3A_314 = vector.broadcast %broadcast_in_dim3A_313 : vector<256x1xi32> to vector<256x4096xi32>
      %eq3A_315 = arith.cmpi eq, %select_n3A_310, %eq3A_314 : vector<256x4096xi32>
      %jit3A_316 = arith.constant -2147483648 : i32
      %broadcast_in_dim3A_317 = vector.broadcast %jit3A_316 : i32 to vector<256x4096xi32>
      %select_n3A_318 = arith.select %eq3A_315, %broadcast_in_dim3A_317, %select_n3A_310 : vector<256x4096xi1>, vector<256x4096xi32>
      %reduce_max3A_319 = arith.constant dense<-2147483648> : vector<256xi32>
      %reduce_max3A_320 = vector.multi_reduction <maxsi>, %select_n3A_318, %reduce_max3A_319 [1] : vector<256x4096xi32> to vector<256xi32>
      %broadcast_in_dim3A_321 = vector.shape_cast %reduce_max3A_320 : vector<256xi32> to vector<256x1xi32>
      %eq3A_322 = vector.broadcast %broadcast_in_dim3A_321 : vector<256x1xi32> to vector<256x4096xi32>
      %eq3A_323 = arith.cmpi eq, %select_n3A_318, %eq3A_322 : vector<256x4096xi32>
      %jit3A_324 = arith.constant -2147483648 : i32
      %broadcast_in_dim3A_325 = vector.broadcast %jit3A_324 : i32 to vector<256x4096xi32>
      %select_n3A_326 = arith.select %eq3A_323, %broadcast_in_dim3A_325, %select_n3A_318 : vector<256x4096xi1>, vector<256x4096xi32>
      %reduce_max3A_327 = arith.constant dense<-2147483648> : vector<256xi32>
      %reduce_max3A_328 = vector.multi_reduction <maxsi>, %select_n3A_326, %reduce_max3A_327 [1] : vector<256x4096xi32> to vector<256xi32>
      %broadcast_in_dim3A_329 = vector.shape_cast %reduce_max3A_328 : vector<256xi32> to vector<256x1xi32>
      %eq3A_330 = vector.broadcast %broadcast_in_dim3A_329 : vector<256x1xi32> to vector<256x4096xi32>
      %eq3A_331 = arith.cmpi eq, %select_n3A_326, %eq3A_330 : vector<256x4096xi32>
      %jit3A_332 = arith.constant -2147483648 : i32
      %broadcast_in_dim3A_333 = vector.broadcast %jit3A_332 : i32 to vector<256x4096xi32>
      %select_n3A_334 = arith.select %eq3A_331, %broadcast_in_dim3A_333, %select_n3A_326 : vector<256x4096xi1>, vector<256x4096xi32>
      %reduce_max3A_335 = arith.constant dense<-2147483648> : vector<256xi32>
      %reduce_max3A_336 = vector.multi_reduction <maxsi>, %select_n3A_334, %reduce_max3A_335 [1] : vector<256x4096xi32> to vector<256xi32>
      %broadcast_in_dim3A_337 = vector.shape_cast %reduce_max3A_336 : vector<256xi32> to vector<256x1xi32>
      %eq3A_338 = vector.broadcast %broadcast_in_dim3A_337 : vector<256x1xi32> to vector<256x4096xi32>
      %eq3A_339 = arith.cmpi eq, %select_n3A_334, %eq3A_338 : vector<256x4096xi32>
      %jit3A_340 = arith.constant -2147483648 : i32
      %broadcast_in_dim3A_341 = vector.broadcast %jit3A_340 : i32 to vector<256x4096xi32>
      %select_n3A_342 = arith.select %eq3A_339, %broadcast_in_dim3A_341, %select_n3A_334 : vector<256x4096xi1>, vector<256x4096xi32>
      %reduce_max3A_343 = arith.constant dense<-2147483648> : vector<256xi32>
      %reduce_max3A_344 = vector.multi_reduction <maxsi>, %select_n3A_342, %reduce_max3A_343 [1] : vector<256x4096xi32> to vector<256xi32>
      %broadcast_in_dim3A_345 = vector.shape_cast %reduce_max3A_344 : vector<256xi32> to vector<256x1xi32>
      %eq3A_346 = vector.broadcast %broadcast_in_dim3A_345 : vector<256x1xi32> to vector<256x4096xi32>
      %eq3A_347 = arith.cmpi eq, %select_n3A_342, %eq3A_346 : vector<256x4096xi32>
      %jit3A_348 = arith.constant -2147483648 : i32
      %broadcast_in_dim3A_349 = vector.broadcast %jit3A_348 : i32 to vector<256x4096xi32>
      %select_n3A_350 = arith.select %eq3A_347, %broadcast_in_dim3A_349, %select_n3A_342 : vector<256x4096xi1>, vector<256x4096xi32>
      %reduce_max3A_351 = arith.constant dense<-2147483648> : vector<256xi32>
      %reduce_max3A_352 = vector.multi_reduction <maxsi>, %select_n3A_350, %reduce_max3A_351 [1] : vector<256x4096xi32> to vector<256xi32>
      %broadcast_in_dim3A_353 = vector.shape_cast %reduce_max3A_352 : vector<256xi32> to vector<256x1xi32>
      %eq3A_354 = vector.broadcast %broadcast_in_dim3A_353 : vector<256x1xi32> to vector<256x4096xi32>
      %eq3A_355 = arith.cmpi eq, %select_n3A_350, %eq3A_354 : vector<256x4096xi32>
      %jit3A_356 = arith.constant -2147483648 : i32
      %broadcast_in_dim3A_357 = vector.broadcast %jit3A_356 : i32 to vector<256x4096xi32>
      %select_n3A_358 = arith.select %eq3A_355, %broadcast_in_dim3A_357, %select_n3A_350 : vector<256x4096xi1>, vector<256x4096xi32>
      %reduce_max3A_359 = arith.constant dense<-2147483648> : vector<256xi32>
      %reduce_max3A_360 = vector.multi_reduction <maxsi>, %select_n3A_358, %reduce_max3A_359 [1] : vector<256x4096xi32> to vector<256xi32>
      %broadcast_in_dim3A_361 = vector.shape_cast %reduce_max3A_360 : vector<256xi32> to vector<256x1xi32>
      %eq3A_362 = vector.broadcast %broadcast_in_dim3A_361 : vector<256x1xi32> to vector<256x4096xi32>
      %eq3A_363 = arith.cmpi eq, %select_n3A_358, %eq3A_362 : vector<256x4096xi32>
      %jit3A_364 = arith.constant -2147483648 : i32
      %broadcast_in_dim3A_365 = vector.broadcast %jit3A_364 : i32 to vector<256x4096xi32>
      %select_n3A_366 = arith.select %eq3A_363, %broadcast_in_dim3A_365, %select_n3A_358 : vector<256x4096xi1>, vector<256x4096xi32>
      %reduce_max3A_367 = arith.constant dense<-2147483648> : vector<256xi32>
      %reduce_max3A_368 = vector.multi_reduction <maxsi>, %select_n3A_366, %reduce_max3A_367 [1] : vector<256x4096xi32> to vector<256xi32>
      %broadcast_in_dim3A_369 = vector.shape_cast %reduce_max3A_368 : vector<256xi32> to vector<256x1xi32>
      %eq3A_370 = vector.broadcast %broadcast_in_dim3A_369 : vector<256x1xi32> to vector<256x4096xi32>
      %eq3A_371 = arith.cmpi eq, %select_n3A_366, %eq3A_370 : vector<256x4096xi32>
      %jit3A_372 = arith.constant -2147483648 : i32
      %broadcast_in_dim3A_373 = vector.broadcast %jit3A_372 : i32 to vector<256x4096xi32>
      %select_n3A_374 = arith.select %eq3A_371, %broadcast_in_dim3A_373, %select_n3A_366 : vector<256x4096xi1>, vector<256x4096xi32>
      %reduce_max3A_375 = arith.constant dense<-2147483648> : vector<256xi32>
      %reduce_max3A_376 = vector.multi_reduction <maxsi>, %select_n3A_374, %reduce_max3A_375 [1] : vector<256x4096xi32> to vector<256xi32>
      %broadcast_in_dim3A_377 = vector.shape_cast %reduce_max3A_376 : vector<256xi32> to vector<256x1xi32>
      %eq3A_378 = vector.broadcast %broadcast_in_dim3A_377 : vector<256x1xi32> to vector<256x4096xi32>
      %eq3A_379 = arith.cmpi eq, %select_n3A_374, %eq3A_378 : vector<256x4096xi32>
      %jit3A_380 = arith.constant -2147483648 : i32
      %broadcast_in_dim3A_381 = vector.broadcast %jit3A_380 : i32 to vector<256x4096xi32>
      %select_n3A_382 = arith.select %eq3A_379, %broadcast_in_dim3A_381, %select_n3A_374 : vector<256x4096xi1>, vector<256x4096xi32>
      %reduce_max3A_383 = arith.constant dense<-2147483648> : vector<256xi32>
      %reduce_max3A_384 = vector.multi_reduction <maxsi>, %select_n3A_382, %reduce_max3A_383 [1] : vector<256x4096xi32> to vector<256xi32>
      %broadcast_in_dim3A_385 = vector.shape_cast %reduce_max3A_384 : vector<256xi32> to vector<256x1xi32>
      %eq3A_386 = vector.broadcast %broadcast_in_dim3A_385 : vector<256x1xi32> to vector<256x4096xi32>
      %eq3A_387 = arith.cmpi eq, %select_n3A_382, %eq3A_386 : vector<256x4096xi32>
      %jit3A_388 = arith.constant -2147483648 : i32
      %broadcast_in_dim3A_389 = vector.broadcast %jit3A_388 : i32 to vector<256x4096xi32>
      %select_n3A_390 = arith.select %eq3A_387, %broadcast_in_dim3A_389, %select_n3A_382 : vector<256x4096xi1>, vector<256x4096xi32>
      %reduce_max3A_391 = arith.constant dense<-2147483648> : vector<256xi32>
      %reduce_max3A_392 = vector.multi_reduction <maxsi>, %select_n3A_390, %reduce_max3A_391 [1] : vector<256x4096xi32> to vector<256xi32>
      %broadcast_in_dim3A_393 = vector.shape_cast %reduce_max3A_392 : vector<256xi32> to vector<256x1xi32>
      %eq3A_394 = vector.broadcast %broadcast_in_dim3A_393 : vector<256x1xi32> to vector<256x4096xi32>
      %eq3A_395 = arith.cmpi eq, %select_n3A_390, %eq3A_394 : vector<256x4096xi32>
      %jit3A_396 = arith.constant -2147483648 : i32
      %broadcast_in_dim3A_397 = vector.broadcast %jit3A_396 : i32 to vector<256x4096xi32>
      %select_n3A_398 = arith.select %eq3A_395, %broadcast_in_dim3A_397, %select_n3A_390 : vector<256x4096xi1>, vector<256x4096xi32>
      %reduce_max3A_399 = arith.constant dense<-2147483648> : vector<256xi32>
      %reduce_max3A_400 = vector.multi_reduction <maxsi>, %select_n3A_398, %reduce_max3A_399 [1] : vector<256x4096xi32> to vector<256xi32>
      %broadcast_in_dim3A_401 = vector.shape_cast %reduce_max3A_400 : vector<256xi32> to vector<256x1xi32>
      %eq3A_402 = vector.broadcast %broadcast_in_dim3A_401 : vector<256x1xi32> to vector<256x4096xi32>
      %eq3A_403 = arith.cmpi eq, %select_n3A_398, %eq3A_402 : vector<256x4096xi32>
      %jit3A_404 = arith.constant -2147483648 : i32
      %broadcast_in_dim3A_405 = vector.broadcast %jit3A_404 : i32 to vector<256x4096xi32>
      %select_n3A_406 = arith.select %eq3A_403, %broadcast_in_dim3A_405, %select_n3A_398 : vector<256x4096xi1>, vector<256x4096xi32>
      %reduce_max3A_407 = arith.constant dense<-2147483648> : vector<256xi32>
      %reduce_max3A_408 = vector.multi_reduction <maxsi>, %select_n3A_406, %reduce_max3A_407 [1] : vector<256x4096xi32> to vector<256xi32>
      %broadcast_in_dim3A_409 = vector.shape_cast %reduce_max3A_408 : vector<256xi32> to vector<256x1xi32>
      %ge3A_410 = vector.broadcast %broadcast_in_dim3A_409 : vector<256x1xi32> to vector<256x4096xi32>
      %ge3A_411 = arith.cmpi sge, %or3A, %ge3A_410 : vector<256x4096xi32>
      %jit3A_412 = arith.constant 0.000000e+00 : f32
      %broadcast_in_dim3A_413 = vector.broadcast %jit3A_412 : f32 to vector<256x4096xf32>
      %select_n3A_414 = arith.select %ge3A_411, %max3A_17, %broadcast_in_dim3A_413 : vector<256x4096xi1>, vector<256x4096xf32>
      %swap3A_415 = arith.constant 0 : index
      %swap3A_416 = arith.constant 0 : index
      %swap3A_417 = vector.load %arg8[%swap3A_415, %swap3A_416] : memref<256x4096xf32, #tpu.memory_space<vmem>>, vector<256x4096xf32>
      tpu.vector_store %arg8[%swap3A_415, %swap3A_416], %select_n3A_414 {strides = array<i32>} : memref<256x4096xf32, #tpu.memory_space<vmem>>, vector<256x4096xf32>,
    } else {
    }
    return
  }
  func.func @transform_0(%arg0: i32) -> (i32, i32) {
    %c0_i32 = arith.constant 0 : i32
    %c0_i32_0 = arith.constant 0 : i32
    return %arg0, %c0_i32 : i32, i32
  }
  func.func @transform_1(%arg0: i32) -> (i32, i32) {
    %c0_i32 = arith.constant 0 : i32
    %c0_i32_0 = arith.constant 0 : i32
    return %arg0, %c0_i32 : i32, i32
  }
  func.func @transform_2(%arg0: i32) -> (i32, i32) {
    %c0_i32 = arith.constant 0 : i32
    %c0_i32_0 = arith.constant 0 : i32
    %c0_i32_1 = arith.constant 0 : i32
    return %c0_i32, %c0_i32_0 : i32, i32
  }
  func.func @transform_3(%arg0: i32) -> (i32, i32) {
    %c0_i32 = arith.constant 0 : i32
    %c0_i32_0 = arith.constant 0 : i32
    %c0_i32_1 = arith.constant 0 : i32
    return %c0_i32, %c0_i32_0 : i32, i32
  }
  func.func @transform_4(%arg0: i32) -> (i32, i32) {
    %c0_i32 = arith.constant 0 : i32
    %c0_i32_0 = arith.constant 0 : i32
    %c0_i32_1 = arith.constant 0 : i32
    return %c0_i32, %c0_i32_0 : i32, i32
  }
  func.func @transform_5(%arg0: i32) -> (i32, i32) {
    %c0_i32 = arith.constant 0 : i32
    %c0_i32_0 = arith.constant 0 : i32
    %c0_i32_1 = arith.constant 0 : i32
    return %c0_i32, %c0_i32_0 : i32, i32
  }
  func.func @transform_6(%arg0: i32) -> (i32, i32) {
    %c0_i32 = arith.constant 0 : i32
    %c0_i32_0 = arith.constant 0 : i32
    %c0_i32_1 = arith.constant 0 : i32
    return %c0_i32, %c0_i32_0 : i32, i32
  }
  func.func @transform_7(%arg0: i32) -> (i32, i32) {
    %c0_i32 = arith.constant 0 : i32
    %c0_i32_0 = arith.constant 0 : i32
    return %arg0, %c0_i32 : i32, i32
  }
}

</mosaic_0001>

<sc_bundles>
// kernel: gather_offload_async_start.1
scs
__scs_entry_jumppad:
0x0: {  	(pc) =	sbr.rel $0x88, $3  }
0x1: {  	(tag) =	ssettag $0x0;
	lr =	simm.s32 $0x1  }
0x2: {  	[smem:$0x3F9A] =	sst lr;
	_ =	strace $0xD0000000  }
0x3: {  	_ = 	snop  }
0x4: {  	_ = 	snop  }
0x5: {  	_ = 	snop  }
0x6: {  	_ = 	snop  }
0x7: {  	_ = 	snop  }
__scs_overlays_trampoline_lowered:
0x8: {  	[smem:$0x3FA9] =	sst s0  }
0x9: {  	[smem:$0x3FAA] =	sst s1  }
0xa: {  	[smem:$0x3FAB] =	sst s2  }
0xb: {  	[smem:$0x3FAC] =	sst s3  }
0xc: {  	[smem:$0x3FAD] =	sst s4  }
0xd: {  	[smem:$0x3FAE] =	sst s5  }
0xe: {  	[smem:$0x3FAF] =	sst s6  }
0xf: {  	[smem:$0x3FB0] =	sst s7  }
0x10: {  	[smem:$0x3FB1] =	sst s8  }
0x11: {  	[smem:$0x3FB2] =	sst s9;
	s0 =	simm.s32 @!p0 $0x0  }
0x12: {  	s1 =	sld [smem:$0x3F98];
	s0 =	simm.s32 @p0 $0x1  }
0x13: {  	[smem:$0x3FB3] =	sst s0;
	s0 =	simm.s32 @!p1 $0x0  }
0x14: {  	s2 =	sld [smem:$0x3F97];
	s0 =	simm.s32 @p1 $0x1  }
0x15: {  	[smem:$0x3FB4] =	sst s0;
	s0 =	simm.s32 @!p2 $0x0  }
0x16: {  	s3 =	sld [smem:$0x3FDB];
	s0 =	simm.s32 @p2 $0x1  }
0x17: {  	s4 =	simm.s32 $0x1BF5;
	[smem:$0x3FB6] =	sst s0  }
0x18: {  	s0 =	sld [smem:$0x3F99];
	_ =	swait.ge [sflag:s4], $0x0  }
0x19: {  	s7 =	sld [smem:$0x3F9A]  }
0x1a: {  	s8 =	sadd.s32 $0xFFFFE003, lr  }
0x1b: {  	s9 =	sadd.s32 $0xFFFFFEF7, lr;
	s5 =	simm.s32 $0xFFFFFFFF;
	p2 =	slt.u32 s8, $0xFFFFF086  }
0x1c: {  	p1 =	slt.u32 s9, $0xF7A;
	s5 =	simm.s32 @!p2 $0x0  }
0x1d: {  	s5 =	simm.s32 @p1 $0x1;
	p0 =	seq.s32 s7, s2  }
0x1e: {  	s7 =	smul.u32 @!p0 $0xF7A, s2;
	p2 =	seq.s32 @!p0 s5, $0x0  }
0x1f: {  	s9 =	smul.u32 $0xF7A, s1;
	s8 =	simm.s32 @!p0 $0x1BF5;
	p2 =	por !p2, p0  }
0x20: {  	[sflag:s8] =	ssyncset.s32 @!p0 $0xFFFFF086;
	s6 =	sadd.s32 @!p0 s3, s7;
	s7 =	simm.s32 @!p0 $0x108  }
0x21: {  	s3 =	sadd.s32 s3, s9;
	s6 =	sadd.s32 @!p0 $0x88, s6;
	s7 =	simm.s32 @p2 $0x1082  }
0x22: {  	[simem:s7], [sflag:s8] =	dma.local @!p0 [hbm:s6], $0xF7A  }
0x23: {  	s9 =	sor.u32 $0xD0000000, s2;
	s6 =	simm.s32 $0x108;
	_ =	swait.ge @!p0 [sflag:s8], $0x0  }
0x24: {  	s3 =	sadd.s32 $0x88, s3;
	s6 =	simm.s32 @!p1 $0x1082;
	[sflag:s4] =	ssyncset.s32 $0xFFFFF086  }
0x25: {  	[simem:s6], [sflag:s4] =	dma.local [hbm:s3], $0xF7A  }
0x26: {  	[smem:$0x3F9A] =	sst s1;
	(tag) =	ssettag s2;
	_ =	strace s9  }
0x27: {  	s1 =	sld [smem:$0x3FAA]  }
0x28: {  	s2 =	sld [smem:$0x3FAB]  }
0x29: {  	s4 =	sld [smem:$0x3FAD]  }
0x2a: {  	p0 =	seq.s32 s5, $0x0;
	s5 =	sld [smem:$0x3FAE]  }
0x2b: {  	s6 =	sld [smem:$0x3FAF]  }
0x2c: {  	s7 =	sld [smem:$0x3FB0]  }
0x2d: {  	s3 =	simm.s32 $0x108;
	s8 =	sld [smem:$0x3FB1]  }
0x2e: {  	s3 =	simm.s32 @!p0 $0x1082;
	s9 =	sld [smem:$0x3FB2]  }
0x2f: {  	lr =	sadd.s32 s0, s3;
	s0 =	sld [smem:$0x3FA9]  }
0x30: {  	s3 =	sld [smem:$0x3FAC]  }
0x31: {  	[smem:$0x3FB5] =	sst s10  }
0x32: {  	s10 =	sld [smem:$0x3FB3];
	_ =	sdelay $0x3  }
0x33: {  	p0 =	seq.s32 s10, $0x1;
	s10 =	sld [smem:$0x3FB5];
	_ =	sdelay $0x3  }
0x34: {  	[smem:$0x3FB5] =	sst s10  }
0x35: {  	s10 =	sld [smem:$0x3FB4];
	_ =	sdelay $0x3  }
0x36: {  	p1 =	seq.s32 s10, $0x1;
	s10 =	sld [smem:$0x3FB5];
	_ =	sdelay $0x3  }
0x37: {  	[smem:$0x3FB5] =	sst s10  }
0x38: {  	s10 =	sld [smem:$0x3FB6]  }
0x39: {  	_ = 	snop;
	(pc) =	sbr.ind lr, $3  }
0x3a: {  	_ = 	snop  }
0x3b: {  	_ = 	snop  }
0x3c: {  	p2 =	seq.s32 s10, $0x1;
	s10 =	sld [smem:$0x3FB5]  }
0x3d: {  	_ =	shalt  }
0x3e: {  	_ =	shalt  }
0x3f: {  	_ =	shalt  }
0x40: {  	_ =	shalt  }
0x41: {  	_ =	shalt  }
0x42: {  	_ =	shalt  }
0x43: {  	_ =	shalt  }
0x44: {  	_ =	shalt  }
0x45: {  	_ =	shalt  }
0x46: {  	_ =	shalt  }
0x47: {  	_ =	shalt  }
0x48: {  	_ =	shalt  }
0x49: {  	_ =	shalt  }
0x4a: {  	_ =	shalt  }
0x4b: {  	_ =	shalt  }
0x4c: {  	_ =	shalt  }
0x4d: {  	_ =	shalt  }
0x4e: {  	_ =	shalt  }
0x4f: {  	_ =	shalt  }
0x50: {  	_ =	shalt  }
0x51: {  	_ =	shalt  }
0x52: {  	_ =	shalt  }
0x53: {  	_ =	shalt  }
0x54: {  	_ =	shalt  }
0x55: {  	_ =	shalt  }
0x56: {  	_ =	shalt  }
0x57: {  	_ =	shalt  }
0x58: {  	_ =	shalt  }
0x59: {  	_ =	shalt  }
0x5a: {  	_ =	shalt  }
0x5b: {  	_ =	shalt  }
0x5c: {  	_ =	shalt  }
0x5d: {  	_ =	shalt  }
0x5e: {  	_ =	shalt  }
0x5f: {  	_ =	shalt  }
0x60: {  	_ =	shalt  }
0x61: {  	_ =	shalt  }
0x62: {  	_ =	shalt  }
0x63: {  	_ =	shalt  }
0x64: {  	_ =	shalt  }
0x65: {  	_ =	shalt  }
0x66: {  	_ =	shalt  }
0x67: {  	_ =	shalt  }
0x68: {  	_ =	shalt  }
0x69: {  	_ =	shalt  }
0x6a: {  	_ =	shalt  }
0x6b: {  	_ =	shalt  }
0x6c: {  	_ =	shalt  }
0x6d: {  	_ =	shalt  }
0x6e: {  	_ =	shalt  }
0x6f: {  	_ =	shalt  }
0x70: {  	_ =	shalt  }
0x71: {  	_ =	shalt  }
0x72: {  	_ =	shalt  }
0x73: {  	_ =	shalt  }
0x74: {  	_ =	shalt  }
0x75: {  	_ =	shalt  }
0x76: {  	_ =	shalt  }
0x77: {  	_ =	shalt  }
0x78: {  	_ =	shalt  }
0x79: {  	_ =	shalt  }
0x7a: {  	_ =	shalt  }
0x7b: {  	_ =	shalt  }
0x7c: {  	_ =	shalt  }
0x7d: {  	_ =	shalt  }
0x7e: {  	_ =	shalt  }
0x7f: {  	_ =	shalt  }
0x80: {  	_ =	shalt  }
0x81: {  	_ =	shalt  }
0x82: {  	_ =	shalt  }
0x83: {  	_ =	shalt  }
0x84: {  	_ =	shalt  }
0x85: {  	_ =	shalt  }
0x86: {  	_ =	shalt  }
0x87: {  	_ =	shalt  }
.Lfunc_end0:
.L_simem_size_0:
called_computation.1_lowered:
.L_overlay_start_0:
0x88: {  	s2 =	sld [smem:$0x3FD9]  }
0x89: {  	s3 =	sld [smem:$0x3FFE];
	_ =	sdelay $0x1  }
0x8a: {  	s1 =	srdreg.scid  }
0x8b: {  	s0 =	sand.u32 $0x1, s1  }
0x8c: {  	s17 =	sshll.u32 s0, $0xA;
	s2 =	sadd.s32 s3, s2  }
0x8d: {  	s2 =	sadd.s32 s2, s17  }
0x8e: {  	[smem:$0x3FC1] =	sst s2  }
0x8f: {  	_ = 	snop  }
0x90: {  	s2 =	sld [smem:$0x3FC7];
	(tm) =	ssettm $0x1  }
0x91: {  	s18 =	sld [smem:$0x3FFB];
	_ =	sdelay $0x3  }
0x92: {  	_ =	strace s18  }
0x93: {  	s3 =	sld [smem:$0x3FFC];
	_ =	sdelay $0x3  }
0x94: {  	_ =	strace s3  }
0x95: {  	s3 =	sld [smem:$0x3FFD];
	_ =	sdelay $0x3  }
0x96: {  	_ =	strace s3  }
0x97: {  	_ =	strace $0x8FFFFFFF  }
0x98: {  	s19 =	sld [smem:$0x3FDB];
	_ =	sdelay $0x1  }
0x99: {  	s4 =	simm.s32 $_scs_section_size  }
0x9a: {  	s5 =	simm.s32 $_size__tile_overlayer_lowered;
	s6 =	simm.s32 $_tile_overlayer_lowered  }
0x9b: {  	s22 =	simm.s32 $0x1BFF;
	s21 =	sshll.u32 s6, $0x1;
	s3 =	sadd.s32 s4, s19  }
0x9c: {  	s7 =	simm.s32 $0x0;
	s20 =	sshll.u32 s5, $0x1;
	s5 =	sadd.s32 s21, s3  }
0x9d: {  	[timem:s7], [sflag:s22] =	dma.local [hbm:s5], s20  }
0x9e: {  	_ =	swait.ge [sflag:s22], s20  }
0x9f: {  	s4 =	ssub.s32 $0x0, s20;
	[sflag:s22] =	ssyncset.done $0x0  }
0xa0: {  	[sflag:s22] =	ssyncadd.s32 s4;
	_ =	sdelay $0x1  }
0xa1: {  	s23 =	simm.s32 $0x1B8B  }
0xa2: {  	_ =	swait.ge [sflag:s23], $0x1  }
0xa3: {  	[sflag:s23] =	ssyncset.done $0x0  }
0xa4: {  	s25 =	simm.s32 $0x1B8E;
	s24 =	sld [smem:$0x3FFE];
	[sflag:s23] =	ssyncadd.s32 $0xFFFFFFFF  }
0xa5: {  	s26 =	simm.s32 $execute0_lowered;
	[smem:$0x3FD2] =	sst s25  }
0xa6: {  	s5 =	sshll.u32 s26, $0x1;
	_ =	strace $0x80000046;
	[dreg:$0x1] =	wrdreg $0xFFFFFFFF  }
0xa7: {  	s28 =	simm.s32 $_size_execute0_lowered;
	s3 =	sadd.s32 s3, s5;
	[dreg:$0x0] =	wrdreg $0x0  }
0xa8: {  	s5 =	sshll.u32 s28, $0x1;
	[dreg:$0x2] =	wrdreg s3  }
0xa9: {  	[dreg:$0x3] =	wrdreg s5  }
0xaa: {  	[dreg:$0x4] =	wrdreg $0xC0  }
0xab: {  	_ =	task [dreg:s7], $0x5FFFF  }
0xac: {  	[dreg:$0x1] =	wrdreg $0xFFFFFFFF  }
0xad: {  	[dreg:$0x0] =	wrdreg $0x60  }
0xae: {  	[dreg:$0x2] =	wrdreg s2  }
0xaf: {  	[dreg:$0x3] =	wrdreg s24  }
0xb0: {  	[dreg:$0x4] =	wrdreg $0xA  }
0xb1: {  	_ =	task.clear_ibuf [dreg:s7], $0x5FFFF;
	_ =	strace $0x90000046  }
0xb2: {  	s29 =	simm.s32 $0xA;
	_ =	strace $0x80000048  }
0xb3: {  	_ =	swait.ge [sflag:s29], $0x1  }
0xb4: {  	[sflag:s29] =	ssyncadd.s32 $0xFFFFFFFF  }
0xb5: {  	_ =	strace $0x90000048  }
0xb6: {  	_ =	sfence  }
0xb7: {  	s30 =	sld [smem:$0x0];
	_ =	sdelay $0x2  }
0xb8: {  	s31 =	sshll.u32 s1, $0xD;
	s1 =	sshrl.u32 s1, $0x2  }
0xb9: {  	s3 =	sand.u32 $0x4000, s31;
	s1 =	sadd.s32 s1, s30  }
0xba: {  	s0 =	sor.u32 s3, s0;
	s1 =	sshll.u32 s1, $0x11  }
0xbb: {  	s0 =	sor.u32 s1, s0  }
0xbc: {  	s0 =	sadd.s32 $0x8F2B, s0  }
0xbd: {  	[sflag:s0] =	ssyncadd.remote.s32 $0x1  }
0xbe: {  	_ =	sfence.sel $0xFFFF  }
0xbf: {  	[dreg:$0x0] =	wrdreg $0xFFFFFFFF;
	(pc) =	sbr.abs _section_cstart, $3  }
0xc0: {  	[dreg:$0x1] =	wrdreg $0xFFFFFFFF  }
0xc1: {  	_ =	task.clear_ibuf [dreg:s7], $0x2FFFF;
	_ =	strace $0x9FFFFFFF  }
0xc2: {  	(tm) =	ssettm $0x7FFFFFFF  }
0xc3: {  	_ =	shalt  }
tec
execute0_lowered:
.L_overlay_start_1:
0x0: {  	(tag) =	ssettag $0x1  }
0x1: {  	s2 =	rddreg [dreg:$0x0]  }
0x2: {  	s7 =	rddreg [dreg:$0x1]  }
0x3: {  	s0 =	rddreg [dreg:$0x2]  }
0x4: {  	s1 =	srdreg.scid;
	_ =	strace $0x80000047;
	s4 =	simm.s32 $0x1  }
0x5: {  	s9 =	simm.s32 $0x3;
	s12 =	simm.s32 $0x0;
	s5 =	sshll.u32 s1, $0x4  }
.Ltmp0:
0x6: {  	s1 =	stileid.u32;
	s5 =	sand.u32 $0x10, s5;
	(pc) =	sbr.rel .LBB2_1-.Ltmp0, $4  }
0x7: {  	s10 =	simm.s32 $0x0;
	s3 =	sadd.s32 $0x1C00, s7;
	s6 =	sor.u32 s1, s5  }
0x8: {  	[sflag:s4] =	ssyncpa.u1 $0x0;
	s5 =	simm.s32 $0x2;
	s6 =	sshll.u32 s6, $0x7  }
0x9: {  	s7 =	sadd.s32 $0x1E00, s7;
	[sflag:s5] =	ssyncpa.u1 $0x0;
	s8 =	sadd.s32 $0x80, s6  }
0xa: {  	vm0 =	vmmov $0xff;
	vm1 =	vcmask $0x3F20;
	[sflag:s9] =	ssyncpa.u1 $0x0;
	s9 =	simm.s32 $0x80;
	s11 =	smov.u32 s6  }
.LBB2_10:
0xb: {  	[hbm:s16] =	stream.linear.scatter [tilespmem:s13], [sflag:$0x3], $0x800, $0x38;
	[tilespmem:$0x10100] =	vst v63  }
.LBB2_11:
0xc: {  	p0 =	seq.s32 s10, $0x2  }
.Ltmp1:
0xd: {  	_ = 	snop;
	(pc) =	sbr.rel @p0 .LBB2_13-.Ltmp1, $1  }
0xe: {  	_ =	sdelay $0x3  }
.LBB2_12:
0xf: {  	s12 =	sadd.s32 $0x80, s11  }
0x10: {  	s13 =	smov.u32 s6;
	p0 =	slt.s32 s12, s8  }
0x11: {  	s13 =	smov.u32 @p0 s12  }
0x12: {  	s10 =	sadd.s32 $0x1, s10;
	s12 =	smov.u32 s11;
	s11 =	smov.u32 s13  }
.LBB2_1:
0x13: {  	p0 =	sne.s32 s10, $0x0  }
.Ltmp2:
0x14: {  	_ = 	snop;
	(pc) =	sbr.rel @!p0 .LBB2_2-.Ltmp2, $1  }
0x15: {  	_ =	sdelay $0x3  }
0x16: {  	s13 =	sand.u32 $0x1, s10  }
0x17: {  	p0 =	seq.s32 s13, $0x0  }
.Ltmp3:
0x18: {  	_ = 	snop;
	(pc) =	sbr.rel @p0 .LBB2_11-.Ltmp3, $1  }
0x19: {  	_ =	sdelay $0x3  }
0x1a: {  	_ =	swait.ge [sflag:s5], $0x80  }
0x1b: {  	[sflag:s5] =	ssyncset.done $0x0  }
0x1c: {  	s13 =	simm.s32 $0x0;
	[sflag:s5] =	ssyncadd.s32 $0xFFFFFF80  }
.LBB2_5:
0x1d: {  	s14 =	sshll.u32 s13, $0x4  }
0x1e: {  	s14 =	sand.u32 $0x3FFFFFF0, s14  }
0x1f: {  	v0 =	vld.msk [tilespmem:s14+$0x80 ss:$0x1], $0xffff;
	_ =	sdelay $0x4  }
0x20: {  	vm2 =	vgt.s32 v0, $0x0  }
0x21: {  	v0 =	vnsel vm2, $0x0, v0  }
0x22: {  	v0 =	vmin.u32 v0, $0xFFF  }
0x23: {  	s31 =	sshll.u32 s13, $0xC;
	v1 =	vshll.u32 v0, $0x5;
	v0 =	vshll.u32 v0, $0x4  }
0x24: {  	s14 =	sand.u32 $0x3FFFF000, s31;
	v1 =	vand.u32 $0x1FF00, v1;
	v0 =	vand.u32 $0x70, v0  }
0x25: {  	p0 =	por $0x1, $0x1;
	s15 =	simm.s32 $0x0;
	s14 =	sadd.s32 $0x8100, s14;
	v0 =	vor.u32 v0, v1  }
.LBB2_6:
0x26: {  	_ =	sdelay $0x1  }
0x27: {  	s15 =	sshra.s32 s15, $0x2;
	p1 =	por p0, p0  }
.Ltmp4:
0x28: {  	s15 =	sadd.s32 s15, s14;
	(pc) =	sbr.rel @p1 .LBB2_6-.Ltmp4, $4  }
0x29: {  	[tilespmem:s15], [sflag:$0x1] =	stream.indirect_vreg.gather [hbm:s2], $0x80, v0, vm0, $0x38;
	[tilespmem:$0x10100] =	vst v63  }
0x2a: {  	s15 =	sadd.s32 $0x800, s15  }
0x2b: {  	[tilespmem:s15], [sflag:$0x1] =	stream.indirect_vreg.gather [hbm:s2], $0x80, v0, vm1, $0x38;
	[tilespmem:$0x10100] =	vst v63  }
0x2c: {  	p0 =	por $0x0, $0x0;
	v0 =	vadd.s32 $0x80, v0;
	s15 =	simm.s32 $0x1000  }
0x2d: {  	s13 =	sadd.s32 $0x1, s13  }
0x2e: {  	p0 =	sne.s32 s13, $0x8  }
.Ltmp5:
0x2f: {  	_ = 	snop;
	(pc) =	sbr.rel @p0 .LBB2_5-.Ltmp5, $1  }
0x30: {  	_ =	sdelay $0x3  }
0x31: {  	s13 =	sshll.u32 s12, $0x5  }
0x32: {  	_ =	swait.ge [sflag:s4], $0x8000;
	s31 =	sshll.u32 s12, $0x4;
	s13 =	sand.u32 $0xFFFFFF00, s13  }
0x33: {  	s14 =	simm.s32 $0x100;
	s12 =	sand.u32 $0x70, s31;
	s13 =	sadd.s32 s13, s7  }
0x34: {  	s15 =	simm.s32 $0x8900;
	[sflag:s4] =	ssyncset.done $0x0;
	s12 =	sadd.s32 s12, s13  }
0x35: {  	[sflag:s4] =	ssyncadd.s32 $0xFFFF8000;
	s13 =	simm.s32 $0x8100;
	s16 =	sadd.s32 $0x0, s12  }
.LBB2_9:
0x36: {  	[hbm:s16] =	stream.linear.scatter [tilespmem:s13], [sflag:$0x3], $0x800, $0x38;
	[tilespmem:$0x10100] =	vst v63  }
0x37: {  	s16 =	smov.u32 s14;
	s13 =	smov.u32 s15;
	p0 =	sne.s32 s14, $0xF00  }
.Ltmp6:
0x38: {  	s14 =	sadd.s32 $0x100, s14;
	(pc) =	sbr.rel @p0 .LBB2_9-.Ltmp6, $2  }
0x39: {  	_ =	sdelay $0x2  }
0x3a: {  	s15 =	sadd.s32 $0x800, s15;
	s16 =	sadd.s32 s16, s12  }
.Ltmp7:
0x3b: {  	_ = 	snop;
	(pc) =	sbr.rel .LBB2_10-.Ltmp7, $1  }
0x3c: {  	_ =	sdelay $0x3  }
.LBB2_2:
.Ltmp8:
0x3d: {  	(pc) =	sbr.rel .LBB2_12-.Ltmp8, $4  }
0x3e: {  	_ = 	snop  }
0x3f: {  	s12 =	sshrl.u32 s11, $0x3  }
0x40: {  	s13 =	sand.u32 $0x7, s11;
	s12 =	sadd.s32 s3, s12  }
0x41: {  	[tilespmem:s9], [sflag:$0x2] =	stream.linear.gather [hbm4b:s12+s13], $0x80, $0x38;
	[tilespmem:$0x10100] =	vst v63  }
.LBB2_13:
0x42: {  	s2 =	simm.s32 $0x3  }
0x43: {  	_ =	swait.ge [sflag:s2], $0x8000  }
0x44: {  	[sflag:s2] =	ssyncset.done $0x0  }
0x45: {  	[sflag:s2] =	ssyncadd.s32 $0xFFFF8000  }
0x46: {  	_ =	sfence.sel $0x180000  }
0x47: {  	s3 =	simm.s32 $0x2;
	[bflag:$0x0] =	sbarrier.arrive $0xFFFF  }
0x48: {  	[sflag:s3] =	ssyncpa.u1 $0x1  }
0x49: {  	s31 =	simm.s32 $0x1;
	[sflag:s2] =	ssyncpa.u1 $0x1  }
0x4a: {  	[sflag:s31] =	ssyncpa.u1 $0x1  }
0x4b: {  	p0 =	sne.s32 s1, $0x0;
	_ =	strace $0x90000047  }
0x4c: {  	s0 =	sadd.s32 @!p0 $0x100000, s0;
	[bflag:$0x2] =	sbarrier.arrive $0xFFFF  }
0x4d: {  	[sflag:s0] =	ssyncadd.tile.s32 @!p0 $0x1;
	_ =	shalt  }
.Lfunc_end2:
_tile_overlayer_lowered:
.L_overlay_start_2:
0x4e: {  	(tag) =	ssettag $0x2  }
0x4f: {  	s0 =	rddreg [dreg:$0x0];
	s2 =	stileid.u32  }
0x50: {  	s1 =	rddreg [dreg:$0x1];
	p0 =	sne.s32 s2, $0x0  }
0x51: {  	s3 =	rddreg [dreg:$0x2];
	[bflag:$0x3] =	sbarrier.arrive $0xFFFF;
	s2 =	simm.s32 @!p0 $0x1C01  }
0x52: {  	[timem:s3], [sflag:s2] =	dma.local @!p0 [hbm:s0], s1  }
0x53: {  	s0 =	simm.s32 @!p0 $0x1  }
0x54: {  	_ =	swait.ge @!p0 [sflag:s0], s1  }
0x55: {  	s1 =	ssub.s32 @!p0 $0x0, s1;
	[sflag:s0] =	ssyncset.done @!p0 $0x0  }
0x56: {  	[sflag:s0] =	ssyncadd.s32 @!p0 s1  }
0x57: {  	[bflag:$0x3] =	sbarrier.arrive $0xFFFF  }
0x58: {  	_ =	shalt  }

// kernel: gather_offload_async_start
scs
__scs_entry_jumppad:
0x0: {  	(pc) =	sbr.rel $0x88, $3  }
0x1: {  	(tag) =	ssettag $0x0;
	lr =	simm.s32 $0x1  }
0x2: {  	[smem:$0x3F9A] =	sst lr;
	_ =	strace $0xD0000000  }
0x3: {  	_ = 	snop  }
0x4: {  	_ = 	snop  }
0x5: {  	_ = 	snop  }
0x6: {  	_ = 	snop  }
0x7: {  	_ = 	snop  }
__scs_overlays_trampoline_lowered:
0x8: {  	[smem:$0x3FA9] =	sst s0  }
0x9: {  	[smem:$0x3FAA] =	sst s1  }
0xa: {  	[smem:$0x3FAB] =	sst s2  }
0xb: {  	[smem:$0x3FAC] =	sst s3  }
0xc: {  	[smem:$0x3FAD] =	sst s4  }
0xd: {  	[smem:$0x3FAE] =	sst s5  }
0xe: {  	[smem:$0x3FAF] =	sst s6  }
0xf: {  	[smem:$0x3FB0] =	sst s7  }
0x10: {  	[smem:$0x3FB1] =	sst s8  }
0x11: {  	[smem:$0x3FB2] =	sst s9;
	s0 =	simm.s32 @!p0 $0x0  }
0x12: {  	s1 =	sld [smem:$0x3F98];
	s0 =	simm.s32 @p0 $0x1  }
0x13: {  	[smem:$0x3FB3] =	sst s0;
	s0 =	simm.s32 @!p1 $0x0  }
0x14: {  	s2 =	sld [smem:$0x3F97];
	s0 =	simm.s32 @p1 $0x1  }
0x15: {  	[smem:$0x3FB4] =	sst s0;
	s0 =	simm.s32 @!p2 $0x0  }
0x16: {  	s3 =	sld [smem:$0x3FDB];
	s0 =	simm.s32 @p2 $0x1  }
0x17: {  	s4 =	simm.s32 $0x1BF5;
	[smem:$0x3FB6] =	sst s0  }
0x18: {  	s0 =	sld [smem:$0x3F99];
	_ =	swait.ge [sflag:s4], $0x0  }
0x19: {  	s7 =	sld [smem:$0x3F9A]  }
0x1a: {  	s8 =	sadd.s32 $0xFFFFE003, lr  }
0x1b: {  	s9 =	sadd.s32 $0xFFFFFEF7, lr;
	s5 =	simm.s32 $0xFFFFFFFF;
	p2 =	slt.u32 s8, $0xFFFFF086  }
0x1c: {  	p1 =	slt.u32 s9, $0xF7A;
	s5 =	simm.s32 @!p2 $0x0  }
0x1d: {  	s5 =	simm.s32 @p1 $0x1;
	p0 =	seq.s32 s7, s2  }
0x1e: {  	s7 =	smul.u32 @!p0 $0xF7A, s2;
	p2 =	seq.s32 @!p0 s5, $0x0  }
0x1f: {  	s9 =	smul.u32 $0xF7A, s1;
	s8 =	simm.s32 @!p0 $0x1BF5;
	p2 =	por !p2, p0  }
0x20: {  	[sflag:s8] =	ssyncset.s32 @!p0 $0xFFFFF086;
	s6 =	sadd.s32 @!p0 s3, s7;
	s7 =	simm.s32 @!p0 $0x108  }
0x21: {  	s3 =	sadd.s32 s3, s9;
	s6 =	sadd.s32 @!p0 $0x88, s6;
	s7 =	simm.s32 @p2 $0x1082  }
0x22: {  	[simem:s7], [sflag:s8] =	dma.local @!p0 [hbm:s6], $0xF7A  }
0x23: {  	s9 =	sor.u32 $0xD0000000, s2;
	s6 =	simm.s32 $0x108;
	_ =	swait.ge @!p0 [sflag:s8], $0x0  }
0x24: {  	s3 =	sadd.s32 $0x88, s3;
	s6 =	simm.s32 @!p1 $0x1082;
	[sflag:s4] =	ssyncset.s32 $0xFFFFF086  }
0x25: {  	[simem:s6], [sflag:s4] =	dma.local [hbm:s3], $0xF7A  }
0x26: {  	[smem:$0x3F9A] =	sst s1;
	(tag) =	ssettag s2;
	_ =	strace s9  }
0x27: {  	s1 =	sld [smem:$0x3FAA]  }
0x28: {  	s2 =	sld [smem:$0x3FAB]  }
0x29: {  	s4 =	sld [smem:$0x3FAD]  }
0x2a: {  	p0 =	seq.s32 s5, $0x0;
	s5 =	sld [smem:$0x3FAE]  }
0x2b: {  	s6 =	sld [smem:$0x3FAF]  }
0x2c: {  	s7 =	sld [smem:$0x3FB0]  }
0x2d: {  	s3 =	simm.s32 $0x108;
	s8 =	sld [smem:$0x3FB1]  }
0x2e: {  	s3 =	simm.s32 @!p0 $0x1082;
	s9 =	sld [smem:$0x3FB2]  }
0x2f: {  	lr =	sadd.s32 s0, s3;
	s0 =	sld [smem:$0x3FA9]  }
0x30: {  	s3 =	sld [smem:$0x3FAC]  }
0x31: {  	[smem:$0x3FB5] =	sst s10  }
0x32: {  	s10 =	sld [smem:$0x3FB3];
	_ =	sdelay $0x3  }
0x33: {  	p0 =	seq.s32 s10, $0x1;
	s10 =	sld [smem:$0x3FB5];
	_ =	sdelay $0x3  }
0x34: {  	[smem:$0x3FB5] =	sst s10  }
0x35: {  	s10 =	sld [smem:$0x3FB4];
	_ =	sdelay $0x3  }
0x36: {  	p1 =	seq.s32 s10, $0x1;
	s10 =	sld [smem:$0x3FB5];
	_ =	sdelay $0x3  }
0x37: {  	[smem:$0x3FB5] =	sst s10  }
0x38: {  	s10 =	sld [smem:$0x3FB6]  }
0x39: {  	_ = 	snop;
	(pc) =	sbr.ind lr, $3  }
0x3a: {  	_ = 	snop  }
0x3b: {  	_ = 	snop  }
0x3c: {  	p2 =	seq.s32 s10, $0x1;
	s10 =	sld [smem:$0x3FB5]  }
0x3d: {  	_ =	shalt  }
0x3e: {  	_ =	shalt  }
0x3f: {  	_ =	shalt  }
0x40: {  	_ =	shalt  }
0x41: {  	_ =	shalt  }
0x42: {  	_ =	shalt  }
0x43: {  	_ =	shalt  }
0x44: {  	_ =	shalt  }
0x45: {  	_ =	shalt  }
0x46: {  	_ =	shalt  }
0x47: {  	_ =	shalt  }
0x48: {  	_ =	shalt  }
0x49: {  	_ =	shalt  }
0x4a: {  	_ =	shalt  }
0x4b: {  	_ =	shalt  }
0x4c: {  	_ =	shalt  }
0x4d: {  	_ =	shalt  }
0x4e: {  	_ =	shalt  }
0x4f: {  	_ =	shalt  }
0x50: {  	_ =	shalt  }
0x51: {  	_ =	shalt  }
0x52: {  	_ =	shalt  }
0x53: {  	_ =	shalt  }
0x54: {  	_ =	shalt  }
0x55: {  	_ =	shalt  }
0x56: {  	_ =	shalt  }
0x57: {  	_ =	shalt  }
0x58: {  	_ =	shalt  }
0x59: {  	_ =	shalt  }
0x5a: {  	_ =	shalt  }
0x5b: {  	_ =	shalt  }
0x5c: {  	_ =	shalt  }
0x5d: {  	_ =	shalt  }
0x5e: {  	_ =	shalt  }
0x5f: {  	_ =	shalt  }
0x60: {  	_ =	shalt  }
0x61: {  	_ =	shalt  }
0x62: {  	_ =	shalt  }
0x63: {  	_ =	shalt  }
0x64: {  	_ =	shalt  }
0x65: {  	_ =	shalt  }
0x66: {  	_ =	shalt  }
0x67: {  	_ =	shalt  }
0x68: {  	_ =	shalt  }
0x69: {  	_ =	shalt  }
0x6a: {  	_ =	shalt  }
0x6b: {  	_ =	shalt  }
0x6c: {  	_ =	shalt  }
0x6d: {  	_ =	shalt  }
0x6e: {  	_ =	shalt  }
0x6f: {  	_ =	shalt  }
0x70: {  	_ =	shalt  }
0x71: {  	_ =	shalt  }
0x72: {  	_ =	shalt  }
0x73: {  	_ =	shalt  }
0x74: {  	_ =	shalt  }
0x75: {  	_ =	shalt  }
0x76: {  	_ =	shalt  }
0x77: {  	_ =	shalt  }
0x78: {  	_ =	shalt  }
0x79: {  	_ =	shalt  }
0x7a: {  	_ =	shalt  }
0x7b: {  	_ =	shalt  }
0x7c: {  	_ =	shalt  }
0x7d: {  	_ =	shalt  }
0x7e: {  	_ =	shalt  }
0x7f: {  	_ =	shalt  }
0x80: {  	_ =	shalt  }
0x81: {  	_ =	shalt  }
0x82: {  	_ =	shalt  }
0x83: {  	_ =	shalt  }
0x84: {  	_ =	shalt  }
0x85: {  	_ =	shalt  }
0x86: {  	_ =	shalt  }
0x87: {  	_ =	shalt  }
.Lfunc_end0:
.L_simem_size_0:
called_computation_lowered:
.L_overlay_start_0:
0x88: {  	s2 =	sld [smem:$0x3FD9]  }
0x89: {  	s3 =	sld [smem:$0x3FFE];
	_ =	sdelay $0x1  }
0x8a: {  	s1 =	srdreg.scid  }
0x8b: {  	s0 =	sand.u32 $0x1, s1  }
0x8c: {  	s17 =	sshll.u32 s0, $0xA;
	s2 =	sadd.s32 s3, s2  }
0x8d: {  	s2 =	sadd.s32 s2, s17  }
0x8e: {  	[smem:$0x3FC1] =	sst s2  }
0x8f: {  	_ = 	snop  }
0x90: {  	s4 =	sld [smem:$0x3FC8]  }
0x91: {  	s18 =	sld [smem:$0x3FD0];
	(tm) =	ssettm $0x1  }
0x92: {  	s19 =	sld [smem:$0x3FFB];
	_ =	sdelay $0x3  }
0x93: {  	_ =	strace s19  }
0x94: {  	s2 =	sld [smem:$0x3FFC];
	_ =	sdelay $0x3  }
0x95: {  	_ =	strace s2  }
0x96: {  	s2 =	sld [smem:$0x3FFD];
	_ =	sdelay $0x3  }
0x97: {  	_ =	strace s2  }
0x98: {  	_ =	strace $0x8FFFFFFF  }
0x99: {  	s20 =	sld [smem:$0x3FDB];
	_ =	sdelay $0x1  }
0x9a: {  	s5 =	simm.s32 $_scs_section_size  }
0x9b: {  	s6 =	simm.s32 $_size__tile_overlayer_lowered;
	s7 =	simm.s32 $_tile_overlayer_lowered  }
0x9c: {  	s8 =	simm.s32 $0x1BFF;
	s21 =	sshll.u32 s7, $0x1;
	s5 =	sadd.s32 s5, s20  }
0x9d: {  	s22 =	simm.s32 $0x0;
	s6 =	sshll.u32 s6, $0x1;
	s7 =	sadd.s32 s21, s5  }
0x9e: {  	[timem:s22], [sflag:s8] =	dma.local [hbm:s7], s6  }
0x9f: {  	_ =	swait.ge [sflag:s8], s6  }
0xa0: {  	s6 =	ssub.s32 $0x0, s6;
	[sflag:s8] =	ssyncset.done $0x0  }
0xa1: {  	[sflag:s8] =	ssyncadd.s32 s6;
	_ =	sdelay $0x1  }
0xa2: {  	s23 =	simm.s32 $0x1B8B  }
0xa3: {  	_ =	swait.ge [sflag:s23], $0x1  }
0xa4: {  	[sflag:s23] =	ssyncset.done $0x0  }
0xa5: {  	[sflag:s23] =	ssyncadd.s32 $0xFFFFFFFF  }
0xa6: {  	s6 =	sld [smem:$0x0]  }
0xa7: {  	s7 =	sand.u32 $0xFFFFFFFE, s1  }
0xa8: {  	p0 =	sne.s32 s1, s7  }
0xa9: {  	s7 =	sshll.u32 @p0 s7, $0xE  }
0xaa: {  	s7 =	sadd.s32 @p0 $0x11B8D, s7;
	s8 =	sshll.u32 @p0 s6, $0x11  }
0xab: {  	s7 =	sor.u32 @p0 s8, s7  }
0xac: {  	[sflag:s7] =	ssyncadd.remote.s32 @p0 $0x1;
	_ =	sdelay $0x1  }
0xad: {  	s7 =	simm.s32 @p0 $0x1B8D  }
0xae: {  	_ =	swait.eq @p0 [sflag:s7], $0x1  }
0xaf: {  	[sflag:s7] =	ssyncadd.s32 @p0 $0xFFFFFFFF  }
0xb0: {  	s8 =	sshll.u32 @!p0 s1, $0xE  }
0xb1: {  	s8 =	sor.u32 @!p0 $0x4000, s8;
	s7 =	simm.s32 @!p0 $0x1B8D  }
0xb2: {  	s6 =	sshll.u32 @!p0 s6, $0x11;
	s8 =	sadd.s32 @!p0 $0x11B8D, s8;
	_ =	swait.eq @!p0 [sflag:s7], $0x1  }
0xb3: {  	s6 =	sor.u32 @!p0 s6, s8;
	[sflag:s7] =	ssyncadd.s32 @!p0 $0xFFFFFFFF  }
0xb4: {  	s25 =	simm.s32 $0x1B8E;
	s24 =	sld [smem:$0x3FFE];
	[sflag:s6] =	ssyncadd.remote.s32 @!p0 $0x1  }
0xb5: {  	s26 =	simm.s32 $execute0_lowered;
	[smem:$0x3FD2] =	sst s25  }
0xb6: {  	s7 =	sshll.u32 s26, $0x1;
	_ =	strace $0x80000049;
	[dreg:$0x1] =	wrdreg $0xFFFFFFFF  }
0xb7: {  	s28 =	simm.s32 $_size_execute0_lowered;
	s5 =	sadd.s32 s5, s7;
	[dreg:$0x0] =	wrdreg $0x0  }
0xb8: {  	s7 =	sshll.u32 s28, $0x1;
	[dreg:$0x2] =	wrdreg s5  }
0xb9: {  	[dreg:$0x3] =	wrdreg s7  }
0xba: {  	[dreg:$0x4] =	wrdreg $0xC0  }
0xbb: {  	_ =	task [dreg:s22], $0x5FFFF  }
0xbc: {  	[dreg:$0x1] =	wrdreg $0xFFFFFFFF  }
0xbd: {  	[dreg:$0x0] =	wrdreg $0x60  }
0xbe: {  	[dreg:$0x2] =	wrdreg s4  }
0xbf: {  	[dreg:$0x3] =	wrdreg s24  }
0xc0: {  	[dreg:$0x4] =	wrdreg s18  }
0xc1: {  	[dreg:$0x5] =	wrdreg $0x9  }
0xc2: {  	_ =	task.clear_ibuf [dreg:s22], $0x6FFFF;
	_ =	strace $0x90000049  }
0xc3: {  	s29 =	simm.s32 $0x9;
	_ =	strace $0x8000004B  }
0xc4: {  	_ =	swait.ge [sflag:s29], $0x1  }
0xc5: {  	[sflag:s29] =	ssyncadd.s32 $0xFFFFFFFF  }
0xc6: {  	_ =	strace $0x9000004B  }
0xc7: {  	_ =	sfence  }
0xc8: {  	s30 =	sld [smem:$0x0];
	_ =	sdelay $0x2  }
0xc9: {  	s31 =	sshll.u32 s1, $0xD;
	s1 =	sshrl.u32 s1, $0x2  }
0xca: {  	s4 =	sand.u32 $0x4000, s31;
	s1 =	sadd.s32 s1, s30  }
0xcb: {  	s0 =	sor.u32 s4, s0;
	s1 =	sshll.u32 s1, $0x11  }
0xcc: {  	s0 =	sor.u32 s1, s0  }
0xcd: {  	s0 =	sadd.s32 $0x8F2B, s0  }
0xce: {  	[sflag:s0] =	ssyncadd.remote.s32 $0x1  }
0xcf: {  	_ =	sfence.sel $0xFFFF  }
0xd0: {  	[dreg:$0x0] =	wrdreg $0xFFFFFFFF;
	(pc) =	sbr.abs _section_cstart, $3  }
0xd1: {  	[dreg:$0x1] =	wrdreg $0xFFFFFFFF  }
0xd2: {  	_ =	task.clear_ibuf [dreg:s22], $0x2FFFF;
	_ =	strace $0x9FFFFFFF  }
0xd3: {  	(tm) =	ssettm $0x7FFFFFFF  }
tec
execute0_lowered:
.L_overlay_start_1:
0x0: {  	(tag) =	ssettag $0x1  }
0x1: {  	s2 =	rddreg [dreg:$0x0]  }
0x2: {  	s7 =	rddreg [dreg:$0x1]  }
0x3: {  	s3 =	rddreg [dreg:$0x2]  }
0x4: {  	s0 =	rddreg [dreg:$0x3];
	s1 =	srdreg.scid;
	_ =	strace $0x8000004A  }
0x5: {  	s4 =	simm.s32 $0x1;
	s9 =	simm.s32 $0x3;
	s5 =	sshll.u32 s1, $0x4  }
.Ltmp0:
0x6: {  	s1 =	stileid.u32;
	s5 =	sand.u32 $0x10, s5;
	(pc) =	sbr.rel .LBB2_1-.Ltmp0, $4  }
0x7: {  	s12 =	simm.s32 $0x0;
	s10 =	simm.s32 $0x0;
	s6 =	sor.u32 s1, s5  }
0x8: {  	[sflag:s4] =	ssyncpa.u1 $0x0;
	s5 =	simm.s32 $0x2;
	s6 =	sshll.u32 s6, $0x7  }
0x9: {  	s7 =	sadd.s32 $0x1C00, s7;
	[sflag:s5] =	ssyncpa.u1 $0x0;
	s8 =	sadd.s32 $0x80, s6  }
0xa: {  	vm0 =	vmmov $0xff;
	vm1 =	vcmask $0x3F20;
	[sflag:s9] =	ssyncpa.u1 $0x0;
	s9 =	simm.s32 $0x80;
	s11 =	smov.u32 s6  }
.LBB2_10:
0xb: {  	[hbm:s16] =	stream.linear.scatter [tilespmem:s13], [sflag:$0x3], $0x800, $0x38;
	[tilespmem:$0x10100] =	vst v63  }
.LBB2_11:
0xc: {  	p0 =	seq.s32 s10, $0x2  }
.Ltmp1:
0xd: {  	_ = 	snop;
	(pc) =	sbr.rel @p0 .LBB2_13-.Ltmp1, $1  }
0xe: {  	_ =	sdelay $0x3  }
.LBB2_12:
0xf: {  	s12 =	sadd.s32 $0x80, s11  }
0x10: {  	s13 =	smov.u32 s6;
	p0 =	slt.s32 s12, s8  }
0x11: {  	s13 =	smov.u32 @p0 s12  }
0x12: {  	s10 =	sadd.s32 $0x1, s10;
	s12 =	smov.u32 s11;
	s11 =	smov.u32 s13  }
.LBB2_1:
0x13: {  	p0 =	sne.s32 s10, $0x0  }
.Ltmp2:
0x14: {  	_ = 	snop;
	(pc) =	sbr.rel @!p0 .LBB2_2-.Ltmp2, $1  }
0x15: {  	_ =	sdelay $0x3  }
0x16: {  	s13 =	sand.u32 $0x1, s10  }
0x17: {  	p0 =	seq.s32 s13, $0x0  }
.Ltmp3:
0x18: {  	_ = 	snop;
	(pc) =	sbr.rel @p0 .LBB2_11-.Ltmp3, $1  }
0x19: {  	_ =	sdelay $0x3  }
0x1a: {  	_ =	swait.ge [sflag:s5], $0x80  }
0x1b: {  	[sflag:s5] =	ssyncset.done $0x0  }
0x1c: {  	s13 =	simm.s32 $0x0;
	[sflag:s5] =	ssyncadd.s32 $0xFFFFFF80  }
.LBB2_5:
0x1d: {  	s14 =	sshll.u32 s13, $0x4  }
0x1e: {  	s14 =	sand.u32 $0x3FFFFFF0, s14  }
0x1f: {  	v0 =	vld.msk [tilespmem:s14+$0x80 ss:$0x1], $0xffff;
	_ =	sdelay $0x4  }
0x20: {  	vm2 =	vgt.s32 v0, $0x0  }
0x21: {  	v0 =	vnsel vm2, $0x0, v0  }
0x22: {  	v0 =	vmin.u32 v0, $0xFFF  }
0x23: {  	s31 =	sshll.u32 s13, $0xC;
	v1 =	vshll.u32 v0, $0x5;
	v0 =	vshll.u32 v0, $0x4  }
0x24: {  	s14 =	sand.u32 $0x3FFFF000, s31;
	v1 =	vand.u32 $0x1FF00, v1;
	v0 =	vand.u32 $0x70, v0  }
0x25: {  	p0 =	por $0x1, $0x1;
	s15 =	simm.s32 $0x0;
	s14 =	sadd.s32 $0x8100, s14;
	v0 =	vor.u32 v0, v1  }
.LBB2_6:
0x26: {  	_ =	sdelay $0x1  }
0x27: {  	s15 =	sshra.s32 s15, $0x2;
	p1 =	por p0, p0  }
.Ltmp4:
0x28: {  	s15 =	sadd.s32 s15, s14;
	(pc) =	sbr.rel @p1 .LBB2_6-.Ltmp4, $4  }
0x29: {  	[tilespmem:s15], [sflag:$0x1] =	stream.indirect_vreg.gather [hbm:s2], $0x80, v0, vm0, $0x38;
	[tilespmem:$0x10100] =	vst v63  }
0x2a: {  	s15 =	sadd.s32 $0x800, s15  }
0x2b: {  	[tilespmem:s15], [sflag:$0x1] =	stream.indirect_vreg.gather [hbm:s2], $0x80, v0, vm1, $0x38;
	[tilespmem:$0x10100] =	vst v63  }
0x2c: {  	p0 =	por $0x0, $0x0;
	v0 =	vadd.s32 $0x80, v0;
	s15 =	simm.s32 $0x1000  }
0x2d: {  	s13 =	sadd.s32 $0x1, s13  }
0x2e: {  	p0 =	sne.s32 s13, $0x8  }
.Ltmp5:
0x2f: {  	_ = 	snop;
	(pc) =	sbr.rel @p0 .LBB2_5-.Ltmp5, $1  }
0x30: {  	_ =	sdelay $0x3  }
0x31: {  	s13 =	sshll.u32 s12, $0x5  }
0x32: {  	_ =	swait.ge [sflag:s4], $0x8000;
	s31 =	sshll.u32 s12, $0x4;
	s13 =	sand.u32 $0xFFFFFF00, s13  }
0x33: {  	s14 =	simm.s32 $0x100;
	s12 =	sand.u32 $0x70, s31;
	s13 =	sadd.s32 s13, s3  }
0x34: {  	s15 =	simm.s32 $0x8900;
	[sflag:s4] =	ssyncset.done $0x0;
	s12 =	sadd.s32 s12, s13  }
0x35: {  	[sflag:s4] =	ssyncadd.s32 $0xFFFF8000;
	s13 =	simm.s32 $0x8100;
	s16 =	sadd.s32 $0x0, s12  }
.LBB2_9:
0x36: {  	[hbm:s16] =	stream.linear.scatter [tilespmem:s13], [sflag:$0x3], $0x800, $0x38;
	[tilespmem:$0x10100] =	vst v63  }
0x37: {  	s16 =	smov.u32 s14;
	s13 =	smov.u32 s15;
	p0 =	sne.s32 s14, $0xF00  }
.Ltmp6:
0x38: {  	s14 =	sadd.s32 $0x100, s14;
	(pc) =	sbr.rel @p0 .LBB2_9-.Ltmp6, $2  }
0x39: {  	_ =	sdelay $0x2  }
0x3a: {  	s15 =	sadd.s32 $0x800, s15;
	s16 =	sadd.s32 s16, s12  }
.Ltmp7:
0x3b: {  	_ = 	snop;
	(pc) =	sbr.rel .LBB2_10-.Ltmp7, $1  }
0x3c: {  	_ =	sdelay $0x3  }
.LBB2_2:
.Ltmp8:
0x3d: {  	(pc) =	sbr.rel .LBB2_12-.Ltmp8, $4  }
0x3e: {  	_ = 	snop  }
0x3f: {  	s12 =	sshrl.u32 s11, $0x3  }
0x40: {  	s13 =	sand.u32 $0x7, s11;
	s12 =	sadd.s32 s7, s12  }
0x41: {  	[tilespmem:s9], [sflag:$0x2] =	stream.linear.gather [hbm4b:s12+s13], $0x80, $0x38;
	[tilespmem:$0x10100] =	vst v63  }
.LBB2_13:
0x42: {  	s2 =	simm.s32 $0x3  }
0x43: {  	_ =	swait.ge [sflag:s2], $0x8000  }
0x44: {  	[sflag:s2] =	ssyncset.done $0x0  }
0x45: {  	[sflag:s2] =	ssyncadd.s32 $0xFFFF8000  }
0x46: {  	_ =	sfence.sel $0x180000  }
0x47: {  	s3 =	simm.s32 $0x2;
	[bflag:$0x0] =	sbarrier.arrive $0xFFFF  }
0x48: {  	[sflag:s3] =	ssyncpa.u1 $0x1  }
0x49: {  	s31 =	simm.s32 $0x1;
	[sflag:s2] =	ssyncpa.u1 $0x1  }
0x4a: {  	[sflag:s31] =	ssyncpa.u1 $0x1  }
0x4b: {  	p0 =	sne.s32 s1, $0x0;
	_ =	strace $0x9000004A  }
0x4c: {  	s0 =	sadd.s32 @!p0 $0x100000, s0;
	[bflag:$0x2] =	sbarrier.arrive $0xFFFF  }
0x4d: {  	[sflag:s0] =	ssyncadd.tile.s32 @!p0 $0x1;
	_ =	shalt  }
.Lfunc_end2:
_tile_overlayer_lowered:
.L_overlay_start_2:
0x4e: {  	(tag) =	ssettag $0x2  }
0x4f: {  	s0 =	rddreg [dreg:$0x0];
	s2 =	stileid.u32  }
0x50: {  	s1 =	rddreg [dreg:$0x1];
	p0 =	sne.s32 s2, $0x0  }
0x51: {  	s3 =	rddreg [dreg:$0x2];
	[bflag:$0x3] =	sbarrier.arrive $0xFFFF;
	s2 =	simm.s32 @!p0 $0x1C01  }
0x52: {  	[timem:s3], [sflag:s2] =	dma.local @!p0 [hbm:s0], s1  }
0x53: {  	s0 =	simm.s32 @!p0 $0x1  }
0x54: {  	_ =	swait.ge @!p0 [sflag:s0], s1  }
0x55: {  	s1 =	ssub.s32 @!p0 $0x0, s1;
	[sflag:s0] =	ssyncset.done @!p0 $0x0  }
0x56: {  	[sflag:s0] =	ssyncadd.s32 @!p0 s1  }
0x57: {  	[bflag:$0x3] =	sbarrier.arrive $0xFFFF  }
0x58: {  	_ =	shalt  }

</sc_bundles>
